<compile_context>
chip_gen: v7x
topology: tpu7x:2x2x1
jax: 0.10.2.dev20260603
libtpu: 0.0.44.dev20260713+nightly
codegen_flags: <defaults>
</compile_context>

<pallas_src>
import functools

import jax
import jax.numpy as jnp
from jax import lax
from jax.experimental import pallas as pl
from jax.experimental.pallas import tpu as pltpu
from jax.experimental.pallas import tpu_sc as plsc

N_NODES = 10000
EDGES = 160000
HID = 256
HALF = 128
GRAPHS = 64
OUT_DIM = 16
EPS = 1e-5

BR = 1000
GRID = N_NODES // BR
NSUB = 16
EPT = EDGES // NSUB
CH = 80
NCHUNK = EPT // CH
SLAB = 640
N_PAD = NSUB * SLAB
LAST_SLAB = N_NODES - 15 * SLAB



def _mm_body(x_ref, w_ref, o_ref):
    o_ref[...] = jnp.dot(x_ref[...], w_ref[...],
                         preferred_element_type=jnp.float32)


def _mm(x, w):
    n = x.shape[0]
    dout = w.shape[1]
    return pl.pallas_call(
        _mm_body,
        grid=(n // BR,),
        in_specs=[
            pl.BlockSpec((BR, HID), lambda i: (i, 0)),
            pl.BlockSpec((HID, dout), lambda i: (0, 0)),
        ],
        out_specs=pl.BlockSpec((BR, dout), lambda i: (i, 0)),
        out_shape=jax.ShapeDtypeStruct((n, dout), jnp.float32),
    )(x, w)


def _pool_body(h_ref, batch_ref, pool_ref):
    i = pl.program_id(0)
    bb = batch_ref[0]
    gid = lax.broadcasted_iota(jnp.int32, (GRAPHS, BR), 0)
    onehot = (gid == bb).astype(jnp.float32)
    contrib = jnp.dot(onehot, h_ref[...], preferred_element_type=jnp.float32,
                      precision=lax.Precision.HIGHEST)

    @pl.when(i == 0)
    def _():
        pool_ref[...] = contrib

    @pl.when(i != 0)
    def _():
        pool_ref[...] += contrib


def _pool(h, batch3):
    return pl.pallas_call(
        _pool_body,
        grid=(GRID,),
        in_specs=[
            pl.BlockSpec((BR, HID), lambda i: (i, 0)),
            pl.BlockSpec((1, 1, BR), lambda i: (i, 0, 0)),
        ],
        out_specs=pl.BlockSpec((GRAPHS, HID), lambda i: (0, 0)),
        out_shape=jax.ShapeDtypeStruct((GRAPHS, HID), jnp.float32),
    )(h, batch3)


def _cls_body(pool_ref, wg1_ref, bg1_ref, gg_ref, gb_ref, wg2_ref, bg2_ref,
              z_ref):
    z1 = jnp.dot(pool_ref[...], wg1_ref[...], preferred_element_type=jnp.float32)
    z1 = z1 + bg1_ref[...]
    m = jnp.mean(z1, axis=0, keepdims=True)
    d = z1 - m
    v = jnp.mean(d * d, axis=0, keepdims=True)
    a = (z1 - m) / jnp.sqrt(v + EPS) * gg_ref[...] + gb_ref[...]
    a = jnp.maximum(a, 0.0)
    z_ref[...] = jnp.dot(a, wg2_ref[...], preferred_element_type=jnp.float32) \
        + bg2_ref[...]


def _cls(pool, wg1, bg1, gg, gb, wg2, bg2):
    return pl.pallas_call(
        _cls_body,
        out_shape=jax.ShapeDtypeStruct((GRAPHS, OUT_DIM), jnp.float32),
    )(pool, wg1, bg1, gg, gb, wg2, bg2)



@functools.lru_cache(maxsize=1)
def _make_sc_scatter():
    mesh = plsc.VectorSubcoreMesh(
        core_axis_name="c", subcore_axis_name="s",
        num_cores=2, num_subcores=NSUB)

    @functools.partial(
        pl.kernel,
        mesh=mesh,
        out_type=[
            jax.ShapeDtypeStruct((N_NODES, HALF), jnp.float32),
            jax.ShapeDtypeStruct((N_NODES, HALF), jnp.float32),
        ],
        scratch_types=[
            pltpu.VMEM((NCHUNK, CH), jnp.int32),
            pltpu.VMEM((NCHUNK, CH), jnp.int32),
            pltpu.VMEM((CH, HALF), jnp.float32),
            pltpu.VMEM_SHARED((N_PAD, HALF), jnp.float32),
            pltpu.SemaphoreType.DMA,
        ],
    )
    def _sc_scatter(m0_hbm, m1_hbm, src_hbm, dst_hbm, zero_hbm, out0, out1,
                    src_v, dst_v, rows_v, agg_sh, sem):
        c = lax.axis_index("c")
        s = lax.axis_index("s")
        off = pl.multiple_of(s * SLAB, 8)
        pltpu.sync_copy(src_hbm.at[s], src_v)
        pltpu.sync_copy(dst_hbm.at[s], dst_v)
        pltpu.sync_copy(zero_hbm, agg_sh.at[pl.ds(off, SLAB)])
        plsc.subcore_barrier()

        def run(m_hbm):
            def chunk(j, carry):
                pltpu.async_copy(m_hbm.at[src_v.at[j]], rows_v, sem).wait()
                pltpu.sync_copy(rows_v, agg_sh.at[dst_v.at[j]], add=True)
                return carry
            lax.fori_loop(0, NCHUNK, chunk, 0)

        @pl.when(c == 0)
        def _():
            run(m0_hbm)

        @pl.when(c == 1)
        def _():
            run(m1_hbm)

        plsc.subcore_barrier()

        def copy_out(out_hbm):
            @pl.when(s < NSUB - 1)
            def _():
                pltpu.sync_copy(agg_sh.at[pl.ds(off, SLAB)],
                                out_hbm.at[pl.ds(off, SLAB)])

            @pl.when(s == NSUB - 1)
            def _():
                pltpu.sync_copy(agg_sh.at[pl.ds(15 * SLAB, LAST_SLAB)],
                                out_hbm.at[pl.ds(15 * SLAB, LAST_SLAB)])

        @pl.when(c == 0)
        def _():
            copy_out(out0)

        @pl.when(c == 1)
        def _():
            copy_out(out1)

    return _sc_scatter


def _sc_call(m0, m1, src3, dst3, zeros128):
    return _make_sc_scatter()(m0, m1, src3, dst3, zeros128)


def _stats(x):
    return (jnp.mean(x, axis=0, keepdims=True),
            jnp.var(x, axis=0, keepdims=True))



def kernel(x, params, edge_index, batch):
    src3 = edge_index[0].reshape(NSUB, NCHUNK, CH)
    dst3 = edge_index[1].reshape(NSUB, NCHUNK, CH)
    zeros128 = jnp.zeros((SLAB, HALF), jnp.float32)
    batch3 = batch.reshape(GRID, 1, BR)
    layers = params["layers"]

    def r(v):
        return v.reshape(1, HID)

    h = x
    for p in layers:
        m = _mm(h, p["W1"]) + p["b1"]
        m_stats = h @ p["W1"] + p["b1"]
        mu = jnp.mean(m_stats, axis=0, keepdims=True)
        v = jnp.var(m_stats, axis=0, keepdims=True)
        a = jax.nn.relu((m - mu) / jnp.sqrt(v + EPS) * p["g1"] + p["be1"])
        msg = _mm(a, p["W2"]) + p["b2"]
        agg0, agg1 = _sc_call(msg[:, :HALF], msg[:, HALF:],
                              src3, dst3, zeros128)
        agg = jnp.concatenate([agg0, agg1], axis=1)
        y = agg + (_mm(h, p["Wr"]) + p["br"])
        y_stats = agg + (h @ p["Wr"] + p["br"])
        mu2 = jnp.mean(y_stats, axis=0, keepdims=True)
        v2 = jnp.var(y_stats, axis=0, keepdims=True)
        h = jax.nn.relu((y - mu2) / jnp.sqrt(v2 + EPS) * p["g2"] + p["be2"])
    pooled = _pool(h, batch3)
    z = _cls(pooled, params["Wg1"], r(params["bg1"]),
             r(params["gg"]), r(params["gb"]),
             params["Wg2"], params["bg2"].reshape(1, OUT_DIM))
    return z

# --- scband reference (transcript-rebuilt; emitter-appended) ---
"""Pipeline reference for scband-gnn-57088705299068 (READ-ONLY COPY).

The authoritative reference and input builder live on the scoring server;
editing this copy changes nothing except your own understanding.
"""

import jax, jax.numpy as jnp
import numpy as np

N = 10000
E = 160000
IN_DIM = 256
HID = 256
OUT_DIM = 16
G = 64
NUM_LAYERS = 3


def _bn(x, g, b, eps=1e-5):
    # BatchNorm1d with track_running_stats=False: always uses batch statistics (biased var)
    m = jnp.mean(x, axis=0, keepdims=True)
    v = jnp.var(x, axis=0, keepdims=True)
    return (x - m) / jnp.sqrt(v + eps) * g + b


def _init_linear(key, fan_in, fan_out):
    k1, k2 = jax.random.split(key)
    lim = 1.0 / np.sqrt(fan_in)
    W = jax.random.uniform(k1, (fan_in, fan_out), minval=-lim, maxval=lim, dtype=jnp.float32)
    b = jax.random.uniform(k2, (fan_out,), minval=-lim, maxval=lim, dtype=jnp.float32)
    return W, b


def setup_inputs(seed: int = 0) -> dict:
    key = jax.random.key(seed)
    ks = jax.random.split(key, 4 + NUM_LAYERS)
    x = jax.random.normal(ks[0], (N, IN_DIM), dtype=jnp.float32)
    edge_index = jax.random.randint(ks[1], (2, E), 0, N, dtype=jnp.int32)
    batch = jnp.sort(jax.random.randint(ks[2], (N,), 0, G, dtype=jnp.int32))
    layers = []
    for i in range(NUM_LAYERS):
        kk = jax.random.split(ks[3 + i], 3)
        d_in = IN_DIM if i == 0 else HID
        W1, b1 = _init_linear(kk[0], d_in, HID)
        W2, b2 = _init_linear(kk[1], HID, HID)
        Wr, br = _init_linear(kk[2], d_in, HID)
        layers.append({
            "W1": W1, "b1": b1,
            "g1": jnp.ones((HID,), jnp.float32), "be1": jnp.zeros((HID,), jnp.float32),
            "W2": W2, "b2": b2,
            "Wr": Wr, "br": br,
            "g2": jnp.ones((HID,), jnp.float32), "be2": jnp.zeros((HID,), jnp.float32),
        })
    kc1, kc2 = jax.random.split(ks[3 + NUM_LAYERS])
    Wg1, bg1 = _init_linear(kc1, HID, HID)
    Wg2, bg2 = _init_linear(kc2, HID, OUT_DIM)
    params = {
        "layers": layers,
        "Wg1": Wg1, "bg1": bg1,
        "gg": jnp.ones((HID,), jnp.float32), "gb": jnp.zeros((HID,), jnp.float32),
        "Wg2": Wg2, "bg2": bg2,
    }
    return {"x": x, "params": params, "edge_index": edge_index, "batch": batch}


def reference(x, params, edge_index, batch):
    src = edge_index[0]
    dst = edge_index[1]
    h = x
    for p in params["layers"]:
        # msg MLP: Linear -> BN -> ReLU -> Linear (dropout_p=0 is identity)
        m = h @ p["W1"] + p["b1"]
        m = jax.nn.relu(_bn(m, p["g1"], p["be1"]))
        m = m @ p["W2"] + p["b2"]
        # propagate with aggr='add': gather messages from source nodes, scatter-add to dst
        agg = jnp.zeros((h.shape[0], m.shape[1]), dtype=m.dtype).at[dst].add(m[src])
        y = agg + (h @ p["Wr"] + p["br"])
        # up: BN -> ReLU
        h = jax.nn.relu(_bn(y, p["g2"], p["be2"]))
    # global_add_pool
    g = jax.ops.segment_sum(h, batch, num_segments=G)
    # graph_cls: Linear -> BN -> ReLU -> Linear
    z = g @ params["Wg1"] + params["bg1"]
    z = jax.nn.relu(_bn(z, params["gg"], params["gb"]))
    z = z @ params["Wg2"] + params["bg2"]
    return z

if __name__ == "__main__":
    import jax
    _d = setup_inputs()
    print(jax.jit(kernel)(*tuple(_d.values())))

</pallas_src>

<mosaic_0001>
#map = affine_map<(d0, d1) -> (0, 0)>
#map1 = affine_map<(d0, d1) -> (0, 0, 0)>
module attributes {stable_mosaic.version = 14 : i64} {
  func.func @_sc_scatter(%arg0: i32, %arg1: i32, %arg2: memref<10000x128xf32, #tpu.memory_space<hbm>>, %arg3: memref<10000x128xf32, #tpu.memory_space<hbm>>, %arg4: memref<16x125x80xi32, #tpu.memory_space<hbm>>, %arg5: memref<16x125x80xi32, #tpu.memory_space<hbm>>, %arg6: memref<640x128xf32, #tpu.memory_space<hbm>>, %arg7: memref<10000x128xf32, #tpu.memory_space<hbm>>, %arg8: memref<10000x128xf32, #tpu.memory_space<hbm>>, %arg9: memref<125x80xi32, #tpu.memory_space<vmem>>, %arg10: memref<125x80xi32, #tpu.memory_space<vmem>>, %arg11: memref<80x128xf32, #tpu.memory_space<vmem>>, %arg12: memref<10240x128xf32, #tpu.memory_space<vmem_shared>>, %arg13: memref<!tpu.dma_semaphore, #tpu.memory_space<semaphore_mem>>) attributes {dimension_semantics = [#tpu.dimension_semantics<core_parallel>, #tpu.dimension_semantics<subcore_parallel>], iteration_bounds = array<i64: 2, 16>, scalar_prefetch = 0 : i64, scratch_operands = 5 : i64, tpu.core_type = #tpu.core_type<sc_vector_subcore>, window_params = [{transform_indices = #map}, {transform_indices = #map}, {transform_indices = #map1}, {transform_indices = #map1}, {transform_indices = #map}, {transform_indices = #map}, {transform_indices = #map}]} {
    %mul3A = arith.constant 640 : i32
    %mul3A_0 = arith.muli %arg1, %mul3A : i32
    %multiple_of3A = tpu.assume_multiple %mul3A_0, 8 : i32
    "tpu.region"() ({
      %run_scoped3A = tpu.sem_alloc : memref<!tpu.dma_semaphore, #tpu.memory_space<semaphore_mem>>
      %dma_start3A = arith.constant 0 : i32
      %dma_start3A_19 = arith.constant 0 : i32
      %dma_start3A_20 = tpu.memref_slice %arg4[%arg1, %dma_start3A, %dma_start3A_19] : memref<16x125x80xi32, #tpu.memory_space<hbm>> -> memref<1x125x80xi32, #tpu.memory_space<hbm>>
      %dma_start3A_21 = tpu.memref_squeeze %dma_start3A_20 : memref<1x125x80xi32, #tpu.memory_space<hbm>> -> memref<125x80xi32, #tpu.memory_space<hbm>>
      %dma_start3A_22 = arith.constant 0 : i32
      %dma_start3A_23 = arith.constant 0 : i32
      %dma_start3A_24 = tpu.memref_slice %arg4[%arg1, %dma_start3A_22, %dma_start3A_23] : memref<16x125x80xi32, #tpu.memory_space<hbm>> -> memref<1x125x80xi32, #tpu.memory_space<hbm>>
      %dma_start3A_25 = tpu.memref_squeeze %dma_start3A_24 : memref<1x125x80xi32, #tpu.memory_space<hbm>> -> memref<125x80xi32, #tpu.memory_space<hbm>>
      tpu.enqueue_dma source(%dma_start3A_25 : memref<125x80xi32, #tpu.memory_space<hbm>>) target(%arg9 : memref<125x80xi32, #tpu.memory_space<vmem>>) target_semaphore(%run_scoped3A : memref<!tpu.dma_semaphore, #tpu.memory_space<semaphore_mem>>)
      %dma_wait3A = arith.constant 0 : i32
      %dma_wait3A_26 = arith.constant 0 : i32
      %dma_wait3A_27 = tpu.memref_slice %arg4[%arg1, %dma_wait3A, %dma_wait3A_26] : memref<16x125x80xi32, #tpu.memory_space<hbm>> -> memref<1x125x80xi32, #tpu.memory_space<hbm>>
      %dma_wait3A_28 = tpu.memref_squeeze %dma_wait3A_27 : memref<1x125x80xi32, #tpu.memory_space<hbm>> -> memref<125x80xi32, #tpu.memory_space<hbm>>
      %dma_wait3A_29 = arith.constant 0 : i32
      %dma_wait3A_30 = arith.constant 0 : i32
      %dma_wait3A_31 = tpu.memref_slice %arg4[%arg1, %dma_wait3A_29, %dma_wait3A_30] : memref<16x125x80xi32, #tpu.memory_space<hbm>> -> memref<1x125x80xi32, #tpu.memory_space<hbm>>
      %dma_wait3A_32 = tpu.memref_squeeze %dma_wait3A_31 : memref<1x125x80xi32, #tpu.memory_space<hbm>> -> memref<125x80xi32, #tpu.memory_space<hbm>>
      tpu.wait_dma2 semaphore(%run_scoped3A : memref<!tpu.dma_semaphore, #tpu.memory_space<semaphore_mem>>) src(%dma_wait3A_32 : memref<125x80xi32, #tpu.memory_space<hbm>>) dst(%arg9 : memref<125x80xi32, #tpu.memory_space<vmem>>)
      tpu.yield
    }) : () -> ()
    "tpu.region"() ({
      %run_scoped3A = tpu.sem_alloc : memref<!tpu.dma_semaphore, #tpu.memory_space<semaphore_mem>>
      %dma_start3A = arith.constant 0 : i32
      %dma_start3A_19 = arith.constant 0 : i32
      %dma_start3A_20 = tpu.memref_slice %arg5[%arg1, %dma_start3A, %dma_start3A_19] : memref<16x125x80xi32, #tpu.memory_space<hbm>> -> memref<1x125x80xi32, #tpu.memory_space<hbm>>
      %dma_start3A_21 = tpu.memref_squeeze %dma_start3A_20 : memref<1x125x80xi32, #tpu.memory_space<hbm>> -> memref<125x80xi32, #tpu.memory_space<hbm>>
      %dma_start3A_22 = arith.constant 0 : i32
      %dma_start3A_23 = arith.constant 0 : i32
      %dma_start3A_24 = tpu.memref_slice %arg5[%arg1, %dma_start3A_22, %dma_start3A_23] : memref<16x125x80xi32, #tpu.memory_space<hbm>> -> memref<1x125x80xi32, #tpu.memory_space<hbm>>
      %dma_start3A_25 = tpu.memref_squeeze %dma_start3A_24 : memref<1x125x80xi32, #tpu.memory_space<hbm>> -> memref<125x80xi32, #tpu.memory_space<hbm>>
      tpu.enqueue_dma source(%dma_start3A_25 : memref<125x80xi32, #tpu.memory_space<hbm>>) target(%arg10 : memref<125x80xi32, #tpu.memory_space<vmem>>) target_semaphore(%run_scoped3A : memref<!tpu.dma_semaphore, #tpu.memory_space<semaphore_mem>>)
      %dma_wait3A = arith.constant 0 : i32
      %dma_wait3A_26 = arith.constant 0 : i32
      %dma_wait3A_27 = tpu.memref_slice %arg5[%arg1, %dma_wait3A, %dma_wait3A_26] : memref<16x125x80xi32, #tpu.memory_space<hbm>> -> memref<1x125x80xi32, #tpu.memory_space<hbm>>
      %dma_wait3A_28 = tpu.memref_squeeze %dma_wait3A_27 : memref<1x125x80xi32, #tpu.memory_space<hbm>> -> memref<125x80xi32, #tpu.memory_space<hbm>>
      %dma_wait3A_29 = arith.constant 0 : i32
      %dma_wait3A_30 = arith.constant 0 : i32
      %dma_wait3A_31 = tpu.memref_slice %arg5[%arg1, %dma_wait3A_29, %dma_wait3A_30] : memref<16x125x80xi32, #tpu.memory_space<hbm>> -> memref<1x125x80xi32, #tpu.memory_space<hbm>>
      %dma_wait3A_32 = tpu.memref_squeeze %dma_wait3A_31 : memref<1x125x80xi32, #tpu.memory_space<hbm>> -> memref<125x80xi32, #tpu.memory_space<hbm>>
      tpu.wait_dma2 semaphore(%run_scoped3A : memref<!tpu.dma_semaphore, #tpu.memory_space<semaphore_mem>>) src(%dma_wait3A_32 : memref<125x80xi32, #tpu.memory_space<hbm>>) dst(%arg10 : memref<125x80xi32, #tpu.memory_space<vmem>>)
      tpu.yield
    }) : () -> ()
    "tpu.region"() ({
      %run_scoped3A = tpu.sem_alloc : memref<!tpu.dma_semaphore, #tpu.memory_space<semaphore_mem>>
      %dma_start3A = arith.constant 0 : i32
      %dma_start3A_19 = tpu.memref_slice %arg12[%multiple_of3A, %dma_start3A] : memref<10240x128xf32, #tpu.memory_space<vmem_shared>> -> memref<640x128xf32, #tpu.memory_space<vmem_shared>>
      tpu.enqueue_dma source(%arg6 : memref<640x128xf32, #tpu.memory_space<hbm>>) target(%dma_start3A_19 : memref<640x128xf32, #tpu.memory_space<vmem_shared>>) target_semaphore(%run_scoped3A : memref<!tpu.dma_semaphore, #tpu.memory_space<semaphore_mem>>)
      %dma_wait3A = arith.constant 0 : i32
      %dma_wait3A_20 = tpu.memref_slice %arg12[%multiple_of3A, %dma_wait3A] : memref<10240x128xf32, #tpu.memory_space<vmem_shared>> -> memref<640x128xf32, #tpu.memory_space<vmem_shared>>
      tpu.wait_dma2 semaphore(%run_scoped3A : memref<!tpu.dma_semaphore, #tpu.memory_space<semaphore_mem>>) src(%arg6 : memref<640x128xf32, #tpu.memory_space<hbm>>) dst(%dma_wait3A_20 : memref<640x128xf32, #tpu.memory_space<vmem_shared>>)
      tpu.yield
    }) : () -> ()
    %barrier3A = arith.constant 0 : index
    tpu.barrier barrier_id(%barrier3A)
    %eq3A = arith.constant 0 : i32
    %eq3A_1 = arith.cmpi eq, %arg0, %eq3A : i32
    %convert_element_type3A = arith.extui %eq3A_1 : i1 to i32
    %cond3A = arith.constant 0 : i32
    %cond3A_2 = arith.cmpi ne, %convert_element_type3A, %cond3A : i32
    scf.if %cond3A_2 {
      %scan3A = arith.constant 0 : i32
      %scan3A_19 = arith.constant 0 : i32
      %scan3A_20 = arith.constant 125 : i32
      %scan3A_21 = arith.addi %scan3A_19, %scan3A_20 : i32
      %scan3A_22 = arith.constant 1 : i32
      scf.for %scan3A_24 = %scan3A_19 to %scan3A_21 step %scan3A_22  : i32 {
        %dma_start3A = arith.constant 0 : i32
        %dma_start3A_25 = tpu.memref_slice %arg9[%scan3A_24, %dma_start3A] : memref<125x80xi32, #tpu.memory_space<vmem>> -> memref<1x80xi32, #tpu.memory_space<vmem>>
        %dma_start3A_26 = tpu.memref_squeeze %dma_start3A_25 : memref<1x80xi32, #tpu.memory_space<vmem>> -> memref<80xi32, #tpu.memory_space<vmem>>
        %dma_start3A_27 = arith.constant 0 : i32
        %dma_start3A_28 = arith.constant 0 : i32
        %dma_start3A_29 = tpu.memref_slice %arg2[%dma_start3A_27, %dma_start3A_28] : memref<10000x128xf32, #tpu.memory_space<hbm>> -> memref<10000x128xf32, #tpu.memory_space<hbm>>
        tpu.enqueue_indirect_dma source(%dma_start3A_29 : memref<10000x128xf32, #tpu.memory_space<hbm>>) target(%arg11 : memref<80x128xf32, #tpu.memory_space<vmem>>) offsets(%dma_start3A_26 : memref<80xi32, #tpu.memory_space<vmem>>) semaphore(%arg13 : memref<!tpu.dma_semaphore, #tpu.memory_space<semaphore_mem>>)
        %dma_wait3A = arith.constant 0 : i32
        %dma_wait3A_30 = tpu.memref_slice %arg9[%scan3A_24, %dma_wait3A] : memref<125x80xi32, #tpu.memory_space<vmem>> -> memref<1x80xi32, #tpu.memory_space<vmem>>
        %dma_wait3A_31 = tpu.memref_squeeze %dma_wait3A_30 : memref<1x80xi32, #tpu.memory_space<vmem>> -> memref<80xi32, #tpu.memory_space<vmem>>
        %dma_wait3A_32 = arith.constant 0 : i32
        %dma_wait3A_33 = arith.constant 0 : i32
        %dma_wait3A_34 = tpu.memref_slice %arg2[%dma_wait3A_32, %dma_wait3A_33] : memref<10000x128xf32, #tpu.memory_space<hbm>> -> memref<10000x128xf32, #tpu.memory_space<hbm>>
        tpu.wait_indirect_dma semaphore(%arg13 : memref<!tpu.dma_semaphore, #tpu.memory_space<semaphore_mem>>) src(%dma_wait3A_34 : memref<10000x128xf32, #tpu.memory_space<hbm>>) dst(%arg11 : memref<80x128xf32, #tpu.memory_space<vmem>>)
        "tpu.region"() ({
          %run_scoped3A = tpu.sem_alloc : memref<!tpu.dma_semaphore, #tpu.memory_space<semaphore_mem>>
          %dma_start3A_35 = arith.constant 0 : i32
          %dma_start3A_36 = tpu.memref_slice %arg10[%scan3A_24, %dma_start3A_35] : memref<125x80xi32, #tpu.memory_space<vmem>> -> memref<1x80xi32, #tpu.memory_space<vmem>>
          %dma_start3A_37 = tpu.memref_squeeze %dma_start3A_36 : memref<1x80xi32, #tpu.memory_space<vmem>> -> memref<80xi32, #tpu.memory_space<vmem>>
          %dma_start3A_38 = arith.constant 0 : i32
          %dma_start3A_39 = arith.constant 0 : i32
          %dma_start3A_40 = tpu.memref_slice %arg12[%dma_start3A_38, %dma_start3A_39] : memref<10240x128xf32, #tpu.memory_space<vmem_shared>> -> memref<10240x128xf32, #tpu.memory_space<vmem_shared>>
          tpu.enqueue_indirect_dma source(%arg11 : memref<80x128xf32, #tpu.memory_space<vmem>>) target(%dma_start3A_40 : memref<10240x128xf32, #tpu.memory_space<vmem_shared>>) offsets(%dma_start3A_37 : memref<80xi32, #tpu.memory_space<vmem>>) semaphore(%run_scoped3A : memref<!tpu.dma_semaphore, #tpu.memory_space<semaphore_mem>>) {add = true}
          %dma_wait3A_41 = arith.constant 0 : i32
          %dma_wait3A_42 = tpu.memref_slice %arg10[%scan3A_24, %dma_wait3A_41] : memref<125x80xi32, #tpu.memory_space<vmem>> -> memref<1x80xi32, #tpu.memory_space<vmem>>
          %dma_wait3A_43 = tpu.memref_squeeze %dma_wait3A_42 : memref<1x80xi32, #tpu.memory_space<vmem>> -> memref<80xi32, #tpu.memory_space<vmem>>
          %dma_wait3A_44 = arith.constant 0 : i32
          %dma_wait3A_45 = arith.constant 0 : i32
          %dma_wait3A_46 = tpu.memref_slice %arg12[%dma_wait3A_44, %dma_wait3A_45] : memref<10240x128xf32, #tpu.memory_space<vmem_shared>> -> memref<10240x128xf32, #tpu.memory_space<vmem_shared>>
          tpu.wait_indirect_dma semaphore(%run_scoped3A : memref<!tpu.dma_semaphore, #tpu.memory_space<semaphore_mem>>) src(%arg11 : memref<80x128xf32, #tpu.memory_space<vmem>>) dst(%dma_wait3A_46 : memref<10240x128xf32, #tpu.memory_space<vmem_shared>>)
          tpu.yield
        }) : () -> ()
      }
      %scan3A_23 = arith.constant 125 : i32
    } else {
    }
    %eq3A_3 = arith.constant 1 : i32
    %eq3A_4 = arith.cmpi eq, %arg0, %eq3A_3 : i32
    %convert_element_type3A_5 = arith.extui %eq3A_4 : i1 to i32
    %cond3A_6 = arith.constant 0 : i32
    %cond3A_7 = arith.cmpi ne, %convert_element_type3A_5, %cond3A_6 : i32
    scf.if %cond3A_7 {
      %scan3A = arith.constant 0 : i32
      %scan3A_19 = arith.constant 0 : i32
      %scan3A_20 = arith.constant 125 : i32
      %scan3A_21 = arith.addi %scan3A_19, %scan3A_20 : i32
      %scan3A_22 = arith.constant 1 : i32
      scf.for %scan3A_24 = %scan3A_19 to %scan3A_21 step %scan3A_22  : i32 {
        %dma_start3A = arith.constant 0 : i32
        %dma_start3A_25 = tpu.memref_slice %arg9[%scan3A_24, %dma_start3A] : memref<125x80xi32, #tpu.memory_space<vmem>> -> memref<1x80xi32, #tpu.memory_space<vmem>>
        %dma_start3A_26 = tpu.memref_squeeze %dma_start3A_25 : memref<1x80xi32, #tpu.memory_space<vmem>> -> memref<80xi32, #tpu.memory_space<vmem>>
        %dma_start3A_27 = arith.constant 0 : i32
        %dma_start3A_28 = arith.constant 0 : i32
        %dma_start3A_29 = tpu.memref_slice %arg3[%dma_start3A_27, %dma_start3A_28] : memref<10000x128xf32, #tpu.memory_space<hbm>> -> memref<10000x128xf32, #tpu.memory_space<hbm>>
        tpu.enqueue_indirect_dma source(%dma_start3A_29 : memref<10000x128xf32, #tpu.memory_space<hbm>>) target(%arg11 : memref<80x128xf32, #tpu.memory_space<vmem>>) offsets(%dma_start3A_26 : memref<80xi32, #tpu.memory_space<vmem>>) semaphore(%arg13 : memref<!tpu.dma_semaphore, #tpu.memory_space<semaphore_mem>>)
        %dma_wait3A = arith.constant 0 : i32
        %dma_wait3A_30 = tpu.memref_slice %arg9[%scan3A_24, %dma_wait3A] : memref<125x80xi32, #tpu.memory_space<vmem>> -> memref<1x80xi32, #tpu.memory_space<vmem>>
        %dma_wait3A_31 = tpu.memref_squeeze %dma_wait3A_30 : memref<1x80xi32, #tpu.memory_space<vmem>> -> memref<80xi32, #tpu.memory_space<vmem>>
        %dma_wait3A_32 = arith.constant 0 : i32
        %dma_wait3A_33 = arith.constant 0 : i32
        %dma_wait3A_34 = tpu.memref_slice %arg3[%dma_wait3A_32, %dma_wait3A_33] : memref<10000x128xf32, #tpu.memory_space<hbm>> -> memref<10000x128xf32, #tpu.memory_space<hbm>>
        tpu.wait_indirect_dma semaphore(%arg13 : memref<!tpu.dma_semaphore, #tpu.memory_space<semaphore_mem>>) src(%dma_wait3A_34 : memref<10000x128xf32, #tpu.memory_space<hbm>>) dst(%arg11 : memref<80x128xf32, #tpu.memory_space<vmem>>)
        "tpu.region"() ({
          %run_scoped3A = tpu.sem_alloc : memref<!tpu.dma_semaphore, #tpu.memory_space<semaphore_mem>>
          %dma_start3A_35 = arith.constant 0 : i32
          %dma_start3A_36 = tpu.memref_slice %arg10[%scan3A_24, %dma_start3A_35] : memref<125x80xi32, #tpu.memory_space<vmem>> -> memref<1x80xi32, #tpu.memory_space<vmem>>
          %dma_start3A_37 = tpu.memref_squeeze %dma_start3A_36 : memref<1x80xi32, #tpu.memory_space<vmem>> -> memref<80xi32, #tpu.memory_space<vmem>>
          %dma_start3A_38 = arith.constant 0 : i32
          %dma_start3A_39 = arith.constant 0 : i32
          %dma_start3A_40 = tpu.memref_slice %arg12[%dma_start3A_38, %dma_start3A_39] : memref<10240x128xf32, #tpu.memory_space<vmem_shared>> -> memref<10240x128xf32, #tpu.memory_space<vmem_shared>>
          tpu.enqueue_indirect_dma source(%arg11 : memref<80x128xf32, #tpu.memory_space<vmem>>) target(%dma_start3A_40 : memref<10240x128xf32, #tpu.memory_space<vmem_shared>>) offsets(%dma_start3A_37 : memref<80xi32, #tpu.memory_space<vmem>>) semaphore(%run_scoped3A : memref<!tpu.dma_semaphore, #tpu.memory_space<semaphore_mem>>) {add = true}
          %dma_wait3A_41 = arith.constant 0 : i32
          %dma_wait3A_42 = tpu.memref_slice %arg10[%scan3A_24, %dma_wait3A_41] : memref<125x80xi32, #tpu.memory_space<vmem>> -> memref<1x80xi32, #tpu.memory_space<vmem>>
          %dma_wait3A_43 = tpu.memref_squeeze %dma_wait3A_42 : memref<1x80xi32, #tpu.memory_space<vmem>> -> memref<80xi32, #tpu.memory_space<vmem>>
          %dma_wait3A_44 = arith.constant 0 : i32
          %dma_wait3A_45 = arith.constant 0 : i32
          %dma_wait3A_46 = tpu.memref_slice %arg12[%dma_wait3A_44, %dma_wait3A_45] : memref<10240x128xf32, #tpu.memory_space<vmem_shared>> -> memref<10240x128xf32, #tpu.memory_space<vmem_shared>>
          tpu.wait_indirect_dma semaphore(%run_scoped3A : memref<!tpu.dma_semaphore, #tpu.memory_space<semaphore_mem>>) src(%arg11 : memref<80x128xf32, #tpu.memory_space<vmem>>) dst(%dma_wait3A_46 : memref<10240x128xf32, #tpu.memory_space<vmem_shared>>)
          tpu.yield
        }) : () -> ()
      }
      %scan3A_23 = arith.constant 125 : i32
    } else {
    }
    %barrier3A_8 = arith.constant 0 : index
    tpu.barrier barrier_id(%barrier3A_8)
    %eq3A_9 = arith.constant 0 : i32
    %eq3A_10 = arith.cmpi eq, %arg0, %eq3A_9 : i32
    %convert_element_type3A_11 = arith.extui %eq3A_10 : i1 to i32
    %cond3A_12 = arith.constant 0 : i32
    %cond3A_13 = arith.cmpi ne, %convert_element_type3A_11, %cond3A_12 : i32
    scf.if %cond3A_13 {
      %lt3A = arith.constant 15 : i32
      %lt3A_19 = arith.cmpi slt, %arg1, %lt3A : i32
      %convert_element_type3A_20 = arith.extui %lt3A_19 : i1 to i32
      %cond3A_21 = arith.constant 0 : i32
      %cond3A_22 = arith.cmpi ne, %convert_element_type3A_20, %cond3A_21 : i32
      scf.if %cond3A_22 {
        "tpu.region"() ({
          %run_scoped3A = tpu.sem_alloc : memref<!tpu.dma_semaphore, #tpu.memory_space<semaphore_mem>>
          %dma_start3A = arith.constant 0 : i32
          %dma_start3A_28 = tpu.memref_slice %arg7[%multiple_of3A, %dma_start3A] : memref<10000x128xf32, #tpu.memory_space<hbm>> -> memref<640x128xf32, #tpu.memory_space<hbm>>
          %dma_start3A_29 = arith.constant 0 : i32
          %dma_start3A_30 = tpu.memref_slice %arg12[%multiple_of3A, %dma_start3A_29] : memref<10240x128xf32, #tpu.memory_space<vmem_shared>> -> memref<640x128xf32, #tpu.memory_space<vmem_shared>>
          tpu.enqueue_dma source(%dma_start3A_30 : memref<640x128xf32, #tpu.memory_space<vmem_shared>>) target(%dma_start3A_28 : memref<640x128xf32, #tpu.memory_space<hbm>>) target_semaphore(%run_scoped3A : memref<!tpu.dma_semaphore, #tpu.memory_space<semaphore_mem>>)
          %dma_wait3A = arith.constant 0 : i32
          %dma_wait3A_31 = tpu.memref_slice %arg7[%multiple_of3A, %dma_wait3A] : memref<10000x128xf32, #tpu.memory_space<hbm>> -> memref<640x128xf32, #tpu.memory_space<hbm>>
          %dma_wait3A_32 = arith.constant 0 : i32
          %dma_wait3A_33 = tpu.memref_slice %arg12[%multiple_of3A, %dma_wait3A_32] : memref<10240x128xf32, #tpu.memory_space<vmem_shared>> -> memref<640x128xf32, #tpu.memory_space<vmem_shared>>
          tpu.wait_dma2 semaphore(%run_scoped3A : memref<!tpu.dma_semaphore, #tpu.memory_space<semaphore_mem>>) src(%dma_wait3A_33 : memref<640x128xf32, #tpu.memory_space<vmem_shared>>) dst(%dma_wait3A_31 : memref<640x128xf32, #tpu.memory_space<hbm>>)
          tpu.yield
        }) : () -> ()
      } else {
      }
      %eq3A_23 = arith.constant 15 : i32
      %eq3A_24 = arith.cmpi eq, %arg1, %eq3A_23 : i32
      %convert_element_type3A_25 = arith.extui %eq3A_24 : i1 to i32
      %cond3A_26 = arith.constant 0 : i32
      %cond3A_27 = arith.cmpi ne, %convert_element_type3A_25, %cond3A_26 : i32
      scf.if %cond3A_27 {
        "tpu.region"() ({
          %run_scoped3A = tpu.sem_alloc : memref<!tpu.dma_semaphore, #tpu.memory_space<semaphore_mem>>
          %dma_start3A = arith.constant 9600 : i32
          %dma_start3A_28 = arith.constant 0 : i32
          %dma_start3A_29 = tpu.memref_slice %arg7[%dma_start3A, %dma_start3A_28] : memref<10000x128xf32, #tpu.memory_space<hbm>> -> memref<400x128xf32, #tpu.memory_space<hbm>>
          %dma_start3A_30 = arith.constant 9600 : i32
          %dma_start3A_31 = arith.constant 0 : i32
          %dma_start3A_32 = tpu.memref_slice %arg12[%dma_start3A_30, %dma_start3A_31] : memref<10240x128xf32, #tpu.memory_space<vmem_shared>> -> memref<400x128xf32, #tpu.memory_space<vmem_shared>>
          tpu.enqueue_dma source(%dma_start3A_32 : memref<400x128xf32, #tpu.memory_space<vmem_shared>>) target(%dma_start3A_29 : memref<400x128xf32, #tpu.memory_space<hbm>>) target_semaphore(%run_scoped3A : memref<!tpu.dma_semaphore, #tpu.memory_space<semaphore_mem>>)
          %dma_wait3A = arith.constant 9600 : i32
          %dma_wait3A_33 = arith.constant 0 : i32
          %dma_wait3A_34 = tpu.memref_slice %arg7[%dma_wait3A, %dma_wait3A_33] : memref<10000x128xf32, #tpu.memory_space<hbm>> -> memref<400x128xf32, #tpu.memory_space<hbm>>
          %dma_wait3A_35 = arith.constant 9600 : i32
          %dma_wait3A_36 = arith.constant 0 : i32
          %dma_wait3A_37 = tpu.memref_slice %arg12[%dma_wait3A_35, %dma_wait3A_36] : memref<10240x128xf32, #tpu.memory_space<vmem_shared>> -> memref<400x128xf32, #tpu.memory_space<vmem_shared>>
          tpu.wait_dma2 semaphore(%run_scoped3A : memref<!tpu.dma_semaphore, #tpu.memory_space<semaphore_mem>>) src(%dma_wait3A_37 : memref<400x128xf32, #tpu.memory_space<vmem_shared>>) dst(%dma_wait3A_34 : memref<400x128xf32, #tpu.memory_space<hbm>>)
          tpu.yield
        }) : () -> ()
      } else {
      }
    } else {
    }
    %eq3A_14 = arith.constant 1 : i32
    %eq3A_15 = arith.cmpi eq, %arg0, %eq3A_14 : i32
    %convert_element_type3A_16 = arith.extui %eq3A_15 : i1 to i32
    %cond3A_17 = arith.constant 0 : i32
    %cond3A_18 = arith.cmpi ne, %convert_element_type3A_16, %cond3A_17 : i32
    scf.if %cond3A_18 {
      %lt3A = arith.constant 15 : i32
      %lt3A_19 = arith.cmpi slt, %arg1, %lt3A : i32
      %convert_element_type3A_20 = arith.extui %lt3A_19 : i1 to i32
      %cond3A_21 = arith.constant 0 : i32
      %cond3A_22 = arith.cmpi ne, %convert_element_type3A_20, %cond3A_21 : i32
      scf.if %cond3A_22 {
        "tpu.region"() ({
          %run_scoped3A = tpu.sem_alloc : memref<!tpu.dma_semaphore, #tpu.memory_space<semaphore_mem>>
          %dma_start3A = arith.constant 0 : i32
          %dma_start3A_28 = tpu.memref_slice %arg8[%multiple_of3A, %dma_start3A] : memref<10000x128xf32, #tpu.memory_space<hbm>> -> memref<640x128xf32, #tpu.memory_space<hbm>>
          %dma_start3A_29 = arith.constant 0 : i32
          %dma_start3A_30 = tpu.memref_slice %arg12[%multiple_of3A, %dma_start3A_29] : memref<10240x128xf32, #tpu.memory_space<vmem_shared>> -> memref<640x128xf32, #tpu.memory_space<vmem_shared>>
          tpu.enqueue_dma source(%dma_start3A_30 : memref<640x128xf32, #tpu.memory_space<vmem_shared>>) target(%dma_start3A_28 : memref<640x128xf32, #tpu.memory_space<hbm>>) target_semaphore(%run_scoped3A : memref<!tpu.dma_semaphore, #tpu.memory_space<semaphore_mem>>)
          %dma_wait3A = arith.constant 0 : i32
          %dma_wait3A_31 = tpu.memref_slice %arg8[%multiple_of3A, %dma_wait3A] : memref<10000x128xf32, #tpu.memory_space<hbm>> -> memref<640x128xf32, #tpu.memory_space<hbm>>
          %dma_wait3A_32 = arith.constant 0 : i32
          %dma_wait3A_33 = tpu.memref_slice %arg12[%multiple_of3A, %dma_wait3A_32] : memref<10240x128xf32, #tpu.memory_space<vmem_shared>> -> memref<640x128xf32, #tpu.memory_space<vmem_shared>>
          tpu.wait_dma2 semaphore(%run_scoped3A : memref<!tpu.dma_semaphore, #tpu.memory_space<semaphore_mem>>) src(%dma_wait3A_33 : memref<640x128xf32, #tpu.memory_space<vmem_shared>>) dst(%dma_wait3A_31 : memref<640x128xf32, #tpu.memory_space<hbm>>)
          tpu.yield
        }) : () -> ()
      } else {
      }
      %eq3A_23 = arith.constant 15 : i32
      %eq3A_24 = arith.cmpi eq, %arg1, %eq3A_23 : i32
      %convert_element_type3A_25 = arith.extui %eq3A_24 : i1 to i32
      %cond3A_26 = arith.constant 0 : i32
      %cond3A_27 = arith.cmpi ne, %convert_element_type3A_25, %cond3A_26 : i32
      scf.if %cond3A_27 {
        "tpu.region"() ({
          %run_scoped3A = tpu.sem_alloc : memref<!tpu.dma_semaphore, #tpu.memory_space<semaphore_mem>>
          %dma_start3A = arith.constant 9600 : i32
          %dma_start3A_28 = arith.constant 0 : i32
          %dma_start3A_29 = tpu.memref_slice %arg8[%dma_start3A, %dma_start3A_28] : memref<10000x128xf32, #tpu.memory_space<hbm>> -> memref<400x128xf32, #tpu.memory_space<hbm>>
          %dma_start3A_30 = arith.constant 9600 : i32
          %dma_start3A_31 = arith.constant 0 : i32
          %dma_start3A_32 = tpu.memref_slice %arg12[%dma_start3A_30, %dma_start3A_31] : memref<10240x128xf32, #tpu.memory_space<vmem_shared>> -> memref<400x128xf32, #tpu.memory_space<vmem_shared>>
          tpu.enqueue_dma source(%dma_start3A_32 : memref<400x128xf32, #tpu.memory_space<vmem_shared>>) target(%dma_start3A_29 : memref<400x128xf32, #tpu.memory_space<hbm>>) target_semaphore(%run_scoped3A : memref<!tpu.dma_semaphore, #tpu.memory_space<semaphore_mem>>)
          %dma_wait3A = arith.constant 9600 : i32
          %dma_wait3A_33 = arith.constant 0 : i32
          %dma_wait3A_34 = tpu.memref_slice %arg8[%dma_wait3A, %dma_wait3A_33] : memref<10000x128xf32, #tpu.memory_space<hbm>> -> memref<400x128xf32, #tpu.memory_space<hbm>>
          %dma_wait3A_35 = arith.constant 9600 : i32
          %dma_wait3A_36 = arith.constant 0 : i32
          %dma_wait3A_37 = tpu.memref_slice %arg12[%dma_wait3A_35, %dma_wait3A_36] : memref<10240x128xf32, #tpu.memory_space<vmem_shared>> -> memref<400x128xf32, #tpu.memory_space<vmem_shared>>
          tpu.wait_dma2 semaphore(%run_scoped3A : memref<!tpu.dma_semaphore, #tpu.memory_space<semaphore_mem>>) src(%dma_wait3A_37 : memref<400x128xf32, #tpu.memory_space<vmem_shared>>) dst(%dma_wait3A_34 : memref<400x128xf32, #tpu.memory_space<hbm>>)
          tpu.yield
        }) : () -> ()
      } else {
      }
    } else {
    }
    return
  }
}

#map = affine_map<(d0, d1) -> (0, 0)>
#map1 = affine_map<(d0, d1) -> (0, 0, 0)>
module attributes {stable_mosaic.version = 14 : i64} {
  func.func @_sc_scatter(%arg0: i32, %arg1: i32, %arg2: memref<10000x128xf32, #tpu.memory_space<hbm>>, %arg3: memref<10000x128xf32, #tpu.memory_space<hbm>>, %arg4: memref<16x125x80xi32, #tpu.memory_space<hbm>>, %arg5: memref<16x125x80xi32, #tpu.memory_space<hbm>>, %arg6: memref<640x128xf32, #tpu.memory_space<hbm>>, %arg7: memref<10000x128xf32, #tpu.memory_space<hbm>>, %arg8: memref<10000x128xf32, #tpu.memory_space<hbm>>, %arg9: memref<125x80xi32, #tpu.memory_space<vmem>>, %arg10: memref<125x80xi32, #tpu.memory_space<vmem>>, %arg11: memref<80x128xf32, #tpu.memory_space<vmem>>, %arg12: memref<10240x128xf32, #tpu.memory_space<vmem_shared>>, %arg13: memref<!tpu.dma_semaphore, #tpu.memory_space<semaphore_mem>>) attributes {dimension_semantics = [#tpu.dimension_semantics<core_parallel>, #tpu.dimension_semantics<subcore_parallel>], iteration_bounds = array<i64: 2, 16>, scalar_prefetch = 0 : i64, scratch_operands = 5 : i64, tpu.core_type = #tpu.core_type<sc_vector_subcore>, window_params = [{transform_indices = #map}, {transform_indices = #map}, {transform_indices = #map1}, {transform_indices = #map1}, {transform_indices = #map}, {transform_indices = #map}, {transform_indices = #map}]} {
    %mul3A = arith.constant 640 : i32
    %mul3A_0 = arith.muli %arg1, %mul3A : i32
    %multiple_of3A = tpu.assume_multiple %mul3A_0, 8 : i32
    "tpu.region"() ({
      %run_scoped3A = tpu.sem_alloc : memref<!tpu.dma_semaphore, #tpu.memory_space<semaphore_mem>>
      %dma_start3A = arith.constant 0 : i32
      %dma_start3A_19 = arith.constant 0 : i32
      %dma_start3A_20 = tpu.memref_slice %arg4[%arg1, %dma_start3A, %dma_start3A_19] : memref<16x125x80xi32, #tpu.memory_space<hbm>> -> memref<1x125x80xi32, #tpu.memory_space<hbm>>
      %dma_start3A_21 = tpu.memref_squeeze %dma_start3A_20 : memref<1x125x80xi32, #tpu.memory_space<hbm>> -> memref<125x80xi32, #tpu.memory_space<hbm>>
      %dma_start3A_22 = arith.constant 0 : i32
      %dma_start3A_23 = arith.constant 0 : i32
      %dma_start3A_24 = tpu.memref_slice %arg4[%arg1, %dma_start3A_22, %dma_start3A_23] : memref<16x125x80xi32, #tpu.memory_space<hbm>> -> memref<1x125x80xi32, #tpu.memory_space<hbm>>
      %dma_start3A_25 = tpu.memref_squeeze %dma_start3A_24 : memref<1x125x80xi32, #tpu.memory_space<hbm>> -> memref<125x80xi32, #tpu.memory_space<hbm>>
      tpu.enqueue_dma source(%dma_start3A_25 : memref<125x80xi32, #tpu.memory_space<hbm>>) target(%arg9 : memref<125x80xi32, #tpu.memory_space<vmem>>) target_semaphore(%run_scoped3A : memref<!tpu.dma_semaphore, #tpu.memory_space<semaphore_mem>>)
      %dma_wait3A = arith.constant 0 : i32
      %dma_wait3A_26 = arith.constant 0 : i32
      %dma_wait3A_27 = tpu.memref_slice %arg4[%arg1, %dma_wait3A, %dma_wait3A_26] : memref<16x125x80xi32, #tpu.memory_space<hbm>> -> memref<1x125x80xi32, #tpu.memory_space<hbm>>
      %dma_wait3A_28 = tpu.memref_squeeze %dma_wait3A_27 : memref<1x125x80xi32, #tpu.memory_space<hbm>> -> memref<125x80xi32, #tpu.memory_space<hbm>>
      %dma_wait3A_29 = arith.constant 0 : i32
      %dma_wait3A_30 = arith.constant 0 : i32
      %dma_wait3A_31 = tpu.memref_slice %arg4[%arg1, %dma_wait3A_29, %dma_wait3A_30] : memref<16x125x80xi32, #tpu.memory_space<hbm>> -> memref<1x125x80xi32, #tpu.memory_space<hbm>>
      %dma_wait3A_32 = tpu.memref_squeeze %dma_wait3A_31 : memref<1x125x80xi32, #tpu.memory_space<hbm>> -> memref<125x80xi32, #tpu.memory_space<hbm>>
      tpu.wait_dma2 semaphore(%run_scoped3A : memref<!tpu.dma_semaphore, #tpu.memory_space<semaphore_mem>>) src(%dma_wait3A_32 : memref<125x80xi32, #tpu.memory_space<hbm>>) dst(%arg9 : memref<125x80xi32, #tpu.memory_space<vmem>>)
      tpu.yield
    }) : () -> ()
    "tpu.region"() ({
      %run_scoped3A = tpu.sem_alloc : memref<!tpu.dma_semaphore, #tpu.memory_space<semaphore_mem>>
      %dma_start3A = arith.constant 0 : i32
      %dma_start3A_19 = arith.constant 0 : i32
      %dma_start3A_20 = tpu.memref_slice %arg5[%arg1, %dma_start3A, %dma_start3A_19] : memref<16x125x80xi32, #tpu.memory_space<hbm>> -> memref<1x125x80xi32, #tpu.memory_space<hbm>>
      %dma_start3A_21 = tpu.memref_squeeze %dma_start3A_20 : memref<1x125x80xi32, #tpu.memory_space<hbm>> -> memref<125x80xi32, #tpu.memory_space<hbm>>
      %dma_start3A_22 = arith.constant 0 : i32
      %dma_start3A_23 = arith.constant 0 : i32
      %dma_start3A_24 = tpu.memref_slice %arg5[%arg1, %dma_start3A_22, %dma_start3A_23] : memref<16x125x80xi32, #tpu.memory_space<hbm>> -> memref<1x125x80xi32, #tpu.memory_space<hbm>>
      %dma_start3A_25 = tpu.memref_squeeze %dma_start3A_24 : memref<1x125x80xi32, #tpu.memory_space<hbm>> -> memref<125x80xi32, #tpu.memory_space<hbm>>
      tpu.enqueue_dma source(%dma_start3A_25 : memref<125x80xi32, #tpu.memory_space<hbm>>) target(%arg10 : memref<125x80xi32, #tpu.memory_space<vmem>>) target_semaphore(%run_scoped3A : memref<!tpu.dma_semaphore, #tpu.memory_space<semaphore_mem>>)
      %dma_wait3A = arith.constant 0 : i32
      %dma_wait3A_26 = arith.constant 0 : i32
      %dma_wait3A_27 = tpu.memref_slice %arg5[%arg1, %dma_wait3A, %dma_wait3A_26] : memref<16x125x80xi32, #tpu.memory_space<hbm>> -> memref<1x125x80xi32, #tpu.memory_space<hbm>>
      %dma_wait3A_28 = tpu.memref_squeeze %dma_wait3A_27 : memref<1x125x80xi32, #tpu.memory_space<hbm>> -> memref<125x80xi32, #tpu.memory_space<hbm>>
      %dma_wait3A_29 = arith.constant 0 : i32
      %dma_wait3A_30 = arith.constant 0 : i32
      %dma_wait3A_31 = tpu.memref_slice %arg5[%arg1, %dma_wait3A_29, %dma_wait3A_30] : memref<16x125x80xi32, #tpu.memory_space<hbm>> -> memref<1x125x80xi32, #tpu.memory_space<hbm>>
      %dma_wait3A_32 = tpu.memref_squeeze %dma_wait3A_31 : memref<1x125x80xi32, #tpu.memory_space<hbm>> -> memref<125x80xi32, #tpu.memory_space<hbm>>
      tpu.wait_dma2 semaphore(%run_scoped3A : memref<!tpu.dma_semaphore, #tpu.memory_space<semaphore_mem>>) src(%dma_wait3A_32 : memref<125x80xi32, #tpu.memory_space<hbm>>) dst(%arg10 : memref<125x80xi32, #tpu.memory_space<vmem>>)
      tpu.yield
    }) : () -> ()
    "tpu.region"() ({
      %run_scoped3A = tpu.sem_alloc : memref<!tpu.dma_semaphore, #tpu.memory_space<semaphore_mem>>
      %dma_start3A = arith.constant 0 : i32
      %dma_start3A_19 = tpu.memref_slice %arg12[%multiple_of3A, %dma_start3A] : memref<10240x128xf32, #tpu.memory_space<vmem_shared>> -> memref<640x128xf32, #tpu.memory_space<vmem_shared>>
      tpu.enqueue_dma source(%arg6 : memref<640x128xf32, #tpu.memory_space<hbm>>) target(%dma_start3A_19 : memref<640x128xf32, #tpu.memory_space<vmem_shared>>) target_semaphore(%run_scoped3A : memref<!tpu.dma_semaphore, #tpu.memory_space<semaphore_mem>>)
      %dma_wait3A = arith.constant 0 : i32
      %dma_wait3A_20 = tpu.memref_slice %arg12[%multiple_of3A, %dma_wait3A] : memref<10240x128xf32, #tpu.memory_space<vmem_shared>> -> memref<640x128xf32, #tpu.memory_space<vmem_shared>>
      tpu.wait_dma2 semaphore(%run_scoped3A : memref<!tpu.dma_semaphore, #tpu.memory_space<semaphore_mem>>) src(%arg6 : memref<640x128xf32, #tpu.memory_space<hbm>>) dst(%dma_wait3A_20 : memref<640x128xf32, #tpu.memory_space<vmem_shared>>)
      tpu.yield
    }) : () -> ()
    %barrier3A = arith.constant 0 : index
    tpu.barrier barrier_id(%barrier3A)
    %eq3A = arith.constant 0 : i32
    %eq3A_1 = arith.cmpi eq, %arg0, %eq3A : i32
    %convert_element_type3A = arith.extui %eq3A_1 : i1 to i32
    %cond3A = arith.constant 0 : i32
    %cond3A_2 = arith.cmpi ne, %convert_element_type3A, %cond3A : i32
    scf.if %cond3A_2 {
      %scan3A = arith.constant 0 : i32
      %scan3A_19 = arith.constant 0 : i32
      %scan3A_20 = arith.constant 125 : i32
      %scan3A_21 = arith.addi %scan3A_19, %scan3A_20 : i32
      %scan3A_22 = arith.constant 1 : i32
      scf.for %scan3A_24 = %scan3A_19 to %scan3A_21 step %scan3A_22  : i32 {
        %dma_start3A = arith.constant 0 : i32
        %dma_start3A_25 = tpu.memref_slice %arg9[%scan3A_24, %dma_start3A] : memref<125x80xi32, #tpu.memory_space<vmem>> -> memref<1x80xi32, #tpu.memory_space<vmem>>
        %dma_start3A_26 = tpu.memref_squeeze %dma_start3A_25 : memref<1x80xi32, #tpu.memory_space<vmem>> -> memref<80xi32, #tpu.memory_space<vmem>>
        %dma_start3A_27 = arith.constant 0 : i32
        %dma_start3A_28 = arith.constant 0 : i32
        %dma_start3A_29 = tpu.memref_slice %arg2[%dma_start3A_27, %dma_start3A_28] : memref<10000x128xf32, #tpu.memory_space<hbm>> -> memref<10000x128xf32, #tpu.memory_space<hbm>>
        tpu.enqueue_indirect_dma source(%dma_start3A_29 : memref<10000x128xf32, #tpu.memory_space<hbm>>) target(%arg11 : memref<80x128xf32, #tpu.memory_space<vmem>>) offsets(%dma_start3A_26 : memref<80xi32, #tpu.memory_space<vmem>>) semaphore(%arg13 : memref<!tpu.dma_semaphore, #tpu.memory_space<semaphore_mem>>)
        %dma_wait3A = arith.constant 0 : i32
        %dma_wait3A_30 = tpu.memref_slice %arg9[%scan3A_24, %dma_wait3A] : memref<125x80xi32, #tpu.memory_space<vmem>> -> memref<1x80xi32, #tpu.memory_space<vmem>>
        %dma_wait3A_31 = tpu.memref_squeeze %dma_wait3A_30 : memref<1x80xi32, #tpu.memory_space<vmem>> -> memref<80xi32, #tpu.memory_space<vmem>>
        %dma_wait3A_32 = arith.constant 0 : i32
        %dma_wait3A_33 = arith.constant 0 : i32
        %dma_wait3A_34 = tpu.memref_slice %arg2[%dma_wait3A_32, %dma_wait3A_33] : memref<10000x128xf32, #tpu.memory_space<hbm>> -> memref<10000x128xf32, #tpu.memory_space<hbm>>
        tpu.wait_indirect_dma semaphore(%arg13 : memref<!tpu.dma_semaphore, #tpu.memory_space<semaphore_mem>>) src(%dma_wait3A_34 : memref<10000x128xf32, #tpu.memory_space<hbm>>) dst(%arg11 : memref<80x128xf32, #tpu.memory_space<vmem>>)
        "tpu.region"() ({
          %run_scoped3A = tpu.sem_alloc : memref<!tpu.dma_semaphore, #tpu.memory_space<semaphore_mem>>
          %dma_start3A_35 = arith.constant 0 : i32
          %dma_start3A_36 = tpu.memref_slice %arg10[%scan3A_24, %dma_start3A_35] : memref<125x80xi32, #tpu.memory_space<vmem>> -> memref<1x80xi32, #tpu.memory_space<vmem>>
          %dma_start3A_37 = tpu.memref_squeeze %dma_start3A_36 : memref<1x80xi32, #tpu.memory_space<vmem>> -> memref<80xi32, #tpu.memory_space<vmem>>
          %dma_start3A_38 = arith.constant 0 : i32
          %dma_start3A_39 = arith.constant 0 : i32
          %dma_start3A_40 = tpu.memref_slice %arg12[%dma_start3A_38, %dma_start3A_39] : memref<10240x128xf32, #tpu.memory_space<vmem_shared>> -> memref<10240x128xf32, #tpu.memory_space<vmem_shared>>
          tpu.enqueue_indirect_dma source(%arg11 : memref<80x128xf32, #tpu.memory_space<vmem>>) target(%dma_start3A_40 : memref<10240x128xf32, #tpu.memory_space<vmem_shared>>) offsets(%dma_start3A_37 : memref<80xi32, #tpu.memory_space<vmem>>) semaphore(%run_scoped3A : memref<!tpu.dma_semaphore, #tpu.memory_space<semaphore_mem>>) {add = true}
          %dma_wait3A_41 = arith.constant 0 : i32
          %dma_wait3A_42 = tpu.memref_slice %arg10[%scan3A_24, %dma_wait3A_41] : memref<125x80xi32, #tpu.memory_space<vmem>> -> memref<1x80xi32, #tpu.memory_space<vmem>>
          %dma_wait3A_43 = tpu.memref_squeeze %dma_wait3A_42 : memref<1x80xi32, #tpu.memory_space<vmem>> -> memref<80xi32, #tpu.memory_space<vmem>>
          %dma_wait3A_44 = arith.constant 0 : i32
          %dma_wait3A_45 = arith.constant 0 : i32
          %dma_wait3A_46 = tpu.memref_slice %arg12[%dma_wait3A_44, %dma_wait3A_45] : memref<10240x128xf32, #tpu.memory_space<vmem_shared>> -> memref<10240x128xf32, #tpu.memory_space<vmem_shared>>
          tpu.wait_indirect_dma semaphore(%run_scoped3A : memref<!tpu.dma_semaphore, #tpu.memory_space<semaphore_mem>>) src(%arg11 : memref<80x128xf32, #tpu.memory_space<vmem>>) dst(%dma_wait3A_46 : memref<10240x128xf32, #tpu.memory_space<vmem_shared>>)
          tpu.yield
        }) : () -> ()
      }
      %scan3A_23 = arith.constant 125 : i32
    } else {
    }
    %eq3A_3 = arith.constant 1 : i32
    %eq3A_4 = arith.cmpi eq, %arg0, %eq3A_3 : i32
    %convert_element_type3A_5 = arith.extui %eq3A_4 : i1 to i32
    %cond3A_6 = arith.constant 0 : i32
    %cond3A_7 = arith.cmpi ne, %convert_element_type3A_5, %cond3A_6 : i32
    scf.if %cond3A_7 {
      %scan3A = arith.constant 0 : i32
      %scan3A_19 = arith.constant 0 : i32
      %scan3A_20 = arith.constant 125 : i32
      %scan3A_21 = arith.addi %scan3A_19, %scan3A_20 : i32
      %scan3A_22 = arith.constant 1 : i32
      scf.for %scan3A_24 = %scan3A_19 to %scan3A_21 step %scan3A_22  : i32 {
        %dma_start3A = arith.constant 0 : i32
        %dma_start3A_25 = tpu.memref_slice %arg9[%scan3A_24, %dma_start3A] : memref<125x80xi32, #tpu.memory_space<vmem>> -> memref<1x80xi32, #tpu.memory_space<vmem>>
        %dma_start3A_26 = tpu.memref_squeeze %dma_start3A_25 : memref<1x80xi32, #tpu.memory_space<vmem>> -> memref<80xi32, #tpu.memory_space<vmem>>
        %dma_start3A_27 = arith.constant 0 : i32
        %dma_start3A_28 = arith.constant 0 : i32
        %dma_start3A_29 = tpu.memref_slice %arg3[%dma_start3A_27, %dma_start3A_28] : memref<10000x128xf32, #tpu.memory_space<hbm>> -> memref<10000x128xf32, #tpu.memory_space<hbm>>
        tpu.enqueue_indirect_dma source(%dma_start3A_29 : memref<10000x128xf32, #tpu.memory_space<hbm>>) target(%arg11 : memref<80x128xf32, #tpu.memory_space<vmem>>) offsets(%dma_start3A_26 : memref<80xi32, #tpu.memory_space<vmem>>) semaphore(%arg13 : memref<!tpu.dma_semaphore, #tpu.memory_space<semaphore_mem>>)
        %dma_wait3A = arith.constant 0 : i32
        %dma_wait3A_30 = tpu.memref_slice %arg9[%scan3A_24, %dma_wait3A] : memref<125x80xi32, #tpu.memory_space<vmem>> -> memref<1x80xi32, #tpu.memory_space<vmem>>
        %dma_wait3A_31 = tpu.memref_squeeze %dma_wait3A_30 : memref<1x80xi32, #tpu.memory_space<vmem>> -> memref<80xi32, #tpu.memory_space<vmem>>
        %dma_wait3A_32 = arith.constant 0 : i32
        %dma_wait3A_33 = arith.constant 0 : i32
        %dma_wait3A_34 = tpu.memref_slice %arg3[%dma_wait3A_32, %dma_wait3A_33] : memref<10000x128xf32, #tpu.memory_space<hbm>> -> memref<10000x128xf32, #tpu.memory_space<hbm>>
        tpu.wait_indirect_dma semaphore(%arg13 : memref<!tpu.dma_semaphore, #tpu.memory_space<semaphore_mem>>) src(%dma_wait3A_34 : memref<10000x128xf32, #tpu.memory_space<hbm>>) dst(%arg11 : memref<80x128xf32, #tpu.memory_space<vmem>>)
        "tpu.region"() ({
          %run_scoped3A = tpu.sem_alloc : memref<!tpu.dma_semaphore, #tpu.memory_space<semaphore_mem>>
          %dma_start3A_35 = arith.constant 0 : i32
          %dma_start3A_36 = tpu.memref_slice %arg10[%scan3A_24, %dma_start3A_35] : memref<125x80xi32, #tpu.memory_space<vmem>> -> memref<1x80xi32, #tpu.memory_space<vmem>>
          %dma_start3A_37 = tpu.memref_squeeze %dma_start3A_36 : memref<1x80xi32, #tpu.memory_space<vmem>> -> memref<80xi32, #tpu.memory_space<vmem>>
          %dma_start3A_38 = arith.constant 0 : i32
          %dma_start3A_39 = arith.constant 0 : i32
          %dma_start3A_40 = tpu.memref_slice %arg12[%dma_start3A_38, %dma_start3A_39] : memref<10240x128xf32, #tpu.memory_space<vmem_shared>> -> memref<10240x128xf32, #tpu.memory_space<vmem_shared>>
          tpu.enqueue_indirect_dma source(%arg11 : memref<80x128xf32, #tpu.memory_space<vmem>>) target(%dma_start3A_40 : memref<10240x128xf32, #tpu.memory_space<vmem_shared>>) offsets(%dma_start3A_37 : memref<80xi32, #tpu.memory_space<vmem>>) semaphore(%run_scoped3A : memref<!tpu.dma_semaphore, #tpu.memory_space<semaphore_mem>>) {add = true}
          %dma_wait3A_41 = arith.constant 0 : i32
          %dma_wait3A_42 = tpu.memref_slice %arg10[%scan3A_24, %dma_wait3A_41] : memref<125x80xi32, #tpu.memory_space<vmem>> -> memref<1x80xi32, #tpu.memory_space<vmem>>
          %dma_wait3A_43 = tpu.memref_squeeze %dma_wait3A_42 : memref<1x80xi32, #tpu.memory_space<vmem>> -> memref<80xi32, #tpu.memory_space<vmem>>
          %dma_wait3A_44 = arith.constant 0 : i32
          %dma_wait3A_45 = arith.constant 0 : i32
          %dma_wait3A_46 = tpu.memref_slice %arg12[%dma_wait3A_44, %dma_wait3A_45] : memref<10240x128xf32, #tpu.memory_space<vmem_shared>> -> memref<10240x128xf32, #tpu.memory_space<vmem_shared>>
          tpu.wait_indirect_dma semaphore(%run_scoped3A : memref<!tpu.dma_semaphore, #tpu.memory_space<semaphore_mem>>) src(%arg11 : memref<80x128xf32, #tpu.memory_space<vmem>>) dst(%dma_wait3A_46 : memref<10240x128xf32, #tpu.memory_space<vmem_shared>>)
          tpu.yield
        }) : () -> ()
      }
      %scan3A_23 = arith.constant 125 : i32
    } else {
    }
    %barrier3A_8 = arith.constant 0 : index
    tpu.barrier barrier_id(%barrier3A_8)
    %eq3A_9 = arith.constant 0 : i32
    %eq3A_10 = arith.cmpi eq, %arg0, %eq3A_9 : i32
    %convert_element_type3A_11 = arith.extui %eq3A_10 : i1 to i32
    %cond3A_12 = arith.constant 0 : i32
    %cond3A_13 = arith.cmpi ne, %convert_element_type3A_11, %cond3A_12 : i32
    scf.if %cond3A_13 {
      %lt3A = arith.constant 15 : i32
      %lt3A_19 = arith.cmpi slt, %arg1, %lt3A : i32
      %convert_element_type3A_20 = arith.extui %lt3A_19 : i1 to i32
      %cond3A_21 = arith.constant 0 : i32
      %cond3A_22 = arith.cmpi ne, %convert_element_type3A_20, %cond3A_21 : i32
      scf.if %cond3A_22 {
        "tpu.region"() ({
          %run_scoped3A = tpu.sem_alloc : memref<!tpu.dma_semaphore, #tpu.memory_space<semaphore_mem>>
          %dma_start3A = arith.constant 0 : i32
          %dma_start3A_28 = tpu.memref_slice %arg7[%multiple_of3A, %dma_start3A] : memref<10000x128xf32, #tpu.memory_space<hbm>> -> memref<640x128xf32, #tpu.memory_space<hbm>>
          %dma_start3A_29 = arith.constant 0 : i32
          %dma_start3A_30 = tpu.memref_slice %arg12[%multiple_of3A, %dma_start3A_29] : memref<10240x128xf32, #tpu.memory_space<vmem_shared>> -> memref<640x128xf32, #tpu.memory_space<vmem_shared>>
          tpu.enqueue_dma source(%dma_start3A_30 : memref<640x128xf32, #tpu.memory_space<vmem_shared>>) target(%dma_start3A_28 : memref<640x128xf32, #tpu.memory_space<hbm>>) target_semaphore(%run_scoped3A : memref<!tpu.dma_semaphore, #tpu.memory_space<semaphore_mem>>)
          %dma_wait3A = arith.constant 0 : i32
          %dma_wait3A_31 = tpu.memref_slice %arg7[%multiple_of3A, %dma_wait3A] : memref<10000x128xf32, #tpu.memory_space<hbm>> -> memref<640x128xf32, #tpu.memory_space<hbm>>
          %dma_wait3A_32 = arith.constant 0 : i32
          %dma_wait3A_33 = tpu.memref_slice %arg12[%multiple_of3A, %dma_wait3A_32] : memref<10240x128xf32, #tpu.memory_space<vmem_shared>> -> memref<640x128xf32, #tpu.memory_space<vmem_shared>>
          tpu.wait_dma2 semaphore(%run_scoped3A : memref<!tpu.dma_semaphore, #tpu.memory_space<semaphore_mem>>) src(%dma_wait3A_33 : memref<640x128xf32, #tpu.memory_space<vmem_shared>>) dst(%dma_wait3A_31 : memref<640x128xf32, #tpu.memory_space<hbm>>)
          tpu.yield
        }) : () -> ()
      } else {
      }
      %eq3A_23 = arith.constant 15 : i32
      %eq3A_24 = arith.cmpi eq, %arg1, %eq3A_23 : i32
      %convert_element_type3A_25 = arith.extui %eq3A_24 : i1 to i32
      %cond3A_26 = arith.constant 0 : i32
      %cond3A_27 = arith.cmpi ne, %convert_element_type3A_25, %cond3A_26 : i32
      scf.if %cond3A_27 {
        "tpu.region"() ({
          %run_scoped3A = tpu.sem_alloc : memref<!tpu.dma_semaphore, #tpu.memory_space<semaphore_mem>>
          %dma_start3A = arith.constant 9600 : i32
          %dma_start3A_28 = arith.constant 0 : i32
          %dma_start3A_29 = tpu.memref_slice %arg7[%dma_start3A, %dma_start3A_28] : memref<10000x128xf32, #tpu.memory_space<hbm>> -> memref<400x128xf32, #tpu.memory_space<hbm>>
          %dma_start3A_30 = arith.constant 9600 : i32
          %dma_start3A_31 = arith.constant 0 : i32
          %dma_start3A_32 = tpu.memref_slice %arg12[%dma_start3A_30, %dma_start3A_31] : memref<10240x128xf32, #tpu.memory_space<vmem_shared>> -> memref<400x128xf32, #tpu.memory_space<vmem_shared>>
          tpu.enqueue_dma source(%dma_start3A_32 : memref<400x128xf32, #tpu.memory_space<vmem_shared>>) target(%dma_start3A_29 : memref<400x128xf32, #tpu.memory_space<hbm>>) target_semaphore(%run_scoped3A : memref<!tpu.dma_semaphore, #tpu.memory_space<semaphore_mem>>)
          %dma_wait3A = arith.constant 9600 : i32
          %dma_wait3A_33 = arith.constant 0 : i32
          %dma_wait3A_34 = tpu.memref_slice %arg7[%dma_wait3A, %dma_wait3A_33] : memref<10000x128xf32, #tpu.memory_space<hbm>> -> memref<400x128xf32, #tpu.memory_space<hbm>>
          %dma_wait3A_35 = arith.constant 9600 : i32
          %dma_wait3A_36 = arith.constant 0 : i32
          %dma_wait3A_37 = tpu.memref_slice %arg12[%dma_wait3A_35, %dma_wait3A_36] : memref<10240x128xf32, #tpu.memory_space<vmem_shared>> -> memref<400x128xf32, #tpu.memory_space<vmem_shared>>
          tpu.wait_dma2 semaphore(%run_scoped3A : memref<!tpu.dma_semaphore, #tpu.memory_space<semaphore_mem>>) src(%dma_wait3A_37 : memref<400x128xf32, #tpu.memory_space<vmem_shared>>) dst(%dma_wait3A_34 : memref<400x128xf32, #tpu.memory_space<hbm>>)
          tpu.yield
        }) : () -> ()
      } else {
      }
    } else {
    }
    %eq3A_14 = arith.constant 1 : i32
    %eq3A_15 = arith.cmpi eq, %arg0, %eq3A_14 : i32
    %convert_element_type3A_16 = arith.extui %eq3A_15 : i1 to i32
    %cond3A_17 = arith.constant 0 : i32
    %cond3A_18 = arith.cmpi ne, %convert_element_type3A_16, %cond3A_17 : i32
    scf.if %cond3A_18 {
      %lt3A = arith.constant 15 : i32
      %lt3A_19 = arith.cmpi slt, %arg1, %lt3A : i32
      %convert_element_type3A_20 = arith.extui %lt3A_19 : i1 to i32
      %cond3A_21 = arith.constant 0 : i32
      %cond3A_22 = arith.cmpi ne, %convert_element_type3A_20, %cond3A_21 : i32
      scf.if %cond3A_22 {
        "tpu.region"() ({
          %run_scoped3A = tpu.sem_alloc : memref<!tpu.dma_semaphore, #tpu.memory_space<semaphore_mem>>
          %dma_start3A = arith.constant 0 : i32
          %dma_start3A_28 = tpu.memref_slice %arg8[%multiple_of3A, %dma_start3A] : memref<10000x128xf32, #tpu.memory_space<hbm>> -> memref<640x128xf32, #tpu.memory_space<hbm>>
          %dma_start3A_29 = arith.constant 0 : i32
          %dma_start3A_30 = tpu.memref_slice %arg12[%multiple_of3A, %dma_start3A_29] : memref<10240x128xf32, #tpu.memory_space<vmem_shared>> -> memref<640x128xf32, #tpu.memory_space<vmem_shared>>
          tpu.enqueue_dma source(%dma_start3A_30 : memref<640x128xf32, #tpu.memory_space<vmem_shared>>) target(%dma_start3A_28 : memref<640x128xf32, #tpu.memory_space<hbm>>) target_semaphore(%run_scoped3A : memref<!tpu.dma_semaphore, #tpu.memory_space<semaphore_mem>>)
          %dma_wait3A = arith.constant 0 : i32
          %dma_wait3A_31 = tpu.memref_slice %arg8[%multiple_of3A, %dma_wait3A] : memref<10000x128xf32, #tpu.memory_space<hbm>> -> memref<640x128xf32, #tpu.memory_space<hbm>>
          %dma_wait3A_32 = arith.constant 0 : i32
          %dma_wait3A_33 = tpu.memref_slice %arg12[%multiple_of3A, %dma_wait3A_32] : memref<10240x128xf32, #tpu.memory_space<vmem_shared>> -> memref<640x128xf32, #tpu.memory_space<vmem_shared>>
          tpu.wait_dma2 semaphore(%run_scoped3A : memref<!tpu.dma_semaphore, #tpu.memory_space<semaphore_mem>>) src(%dma_wait3A_33 : memref<640x128xf32, #tpu.memory_space<vmem_shared>>) dst(%dma_wait3A_31 : memref<640x128xf32, #tpu.memory_space<hbm>>)
          tpu.yield
        }) : () -> ()
      } else {
      }
      %eq3A_23 = arith.constant 15 : i32
      %eq3A_24 = arith.cmpi eq, %arg1, %eq3A_23 : i32
      %convert_element_type3A_25 = arith.extui %eq3A_24 : i1 to i32
      %cond3A_26 = arith.constant 0 : i32
      %cond3A_27 = arith.cmpi ne, %convert_element_type3A_25, %cond3A_26 : i32
      scf.if %cond3A_27 {
        "tpu.region"() ({
          %run_scoped3A = tpu.sem_alloc : memref<!tpu.dma_semaphore, #tpu.memory_space<semaphore_mem>>
          %dma_start3A = arith.constant 9600 : i32
          %dma_start3A_28 = arith.constant 0 : i32
          %dma_start3A_29 = tpu.memref_slice %arg8[%dma_start3A, %dma_start3A_28] : memref<10000x128xf32, #tpu.memory_space<hbm>> -> memref<400x128xf32, #tpu.memory_space<hbm>>
          %dma_start3A_30 = arith.constant 9600 : i32
          %dma_start3A_31 = arith.constant 0 : i32
          %dma_start3A_32 = tpu.memref_slice %arg12[%dma_start3A_30, %dma_start3A_31] : memref<10240x128xf32, #tpu.memory_space<vmem_shared>> -> memref<400x128xf32, #tpu.memory_space<vmem_shared>>
          tpu.enqueue_dma source(%dma_start3A_32 : memref<400x128xf32, #tpu.memory_space<vmem_shared>>) target(%dma_start3A_29 : memref<400x128xf32, #tpu.memory_space<hbm>>) target_semaphore(%run_scoped3A : memref<!tpu.dma_semaphore, #tpu.memory_space<semaphore_mem>>)
          %dma_wait3A = arith.constant 9600 : i32
          %dma_wait3A_33 = arith.constant 0 : i32
          %dma_wait3A_34 = tpu.memref_slice %arg8[%dma_wait3A, %dma_wait3A_33] : memref<10000x128xf32, #tpu.memory_space<hbm>> -> memref<400x128xf32, #tpu.memory_space<hbm>>
          %dma_wait3A_35 = arith.constant 9600 : i32
          %dma_wait3A_36 = arith.constant 0 : i32
          %dma_wait3A_37 = tpu.memref_slice %arg12[%dma_wait3A_35, %dma_wait3A_36] : memref<10240x128xf32, #tpu.memory_space<vmem_shared>> -> memref<400x128xf32, #tpu.memory_space<vmem_shared>>
          tpu.wait_dma2 semaphore(%run_scoped3A : memref<!tpu.dma_semaphore, #tpu.memory_space<semaphore_mem>>) src(%dma_wait3A_37 : memref<400x128xf32, #tpu.memory_space<vmem_shared>>) dst(%dma_wait3A_34 : memref<400x128xf32, #tpu.memory_space<hbm>>)
          tpu.yield
        }) : () -> ()
      } else {
      }
    } else {
    }
    return
  }
}

#map = affine_map<(d0, d1) -> (0, 0)>
#map1 = affine_map<(d0, d1) -> (0, 0, 0)>
module attributes {stable_mosaic.version = 14 : i64} {
  func.func @_sc_scatter(%arg0: i32, %arg1: i32, %arg2: memref<10000x128xf32, #tpu.memory_space<hbm>>, %arg3: memref<10000x128xf32, #tpu.memory_space<hbm>>, %arg4: memref<16x125x80xi32, #tpu.memory_space<hbm>>, %arg5: memref<16x125x80xi32, #tpu.memory_space<hbm>>, %arg6: memref<640x128xf32, #tpu.memory_space<hbm>>, %arg7: memref<10000x128xf32, #tpu.memory_space<hbm>>, %arg8: memref<10000x128xf32, #tpu.memory_space<hbm>>, %arg9: memref<125x80xi32, #tpu.memory_space<vmem>>, %arg10: memref<125x80xi32, #tpu.memory_space<vmem>>, %arg11: memref<80x128xf32, #tpu.memory_space<vmem>>, %arg12: memref<10240x128xf32, #tpu.memory_space<vmem_shared>>, %arg13: memref<!tpu.dma_semaphore, #tpu.memory_space<semaphore_mem>>) attributes {dimension_semantics = [#tpu.dimension_semantics<core_parallel>, #tpu.dimension_semantics<subcore_parallel>], iteration_bounds = array<i64: 2, 16>, scalar_prefetch = 0 : i64, scratch_operands = 5 : i64, tpu.core_type = #tpu.core_type<sc_vector_subcore>, window_params = [{transform_indices = #map}, {transform_indices = #map}, {transform_indices = #map1}, {transform_indices = #map1}, {transform_indices = #map}, {transform_indices = #map}, {transform_indices = #map}]} {
    %mul3A = arith.constant 640 : i32
    %mul3A_0 = arith.muli %arg1, %mul3A : i32
    %multiple_of3A = tpu.assume_multiple %mul3A_0, 8 : i32
    "tpu.region"() ({
      %run_scoped3A = tpu.sem_alloc : memref<!tpu.dma_semaphore, #tpu.memory_space<semaphore_mem>>
      %dma_start3A = arith.constant 0 : i32
      %dma_start3A_19 = arith.constant 0 : i32
      %dma_start3A_20 = tpu.memref_slice %arg4[%arg1, %dma_start3A, %dma_start3A_19] : memref<16x125x80xi32, #tpu.memory_space<hbm>> -> memref<1x125x80xi32, #tpu.memory_space<hbm>>
      %dma_start3A_21 = tpu.memref_squeeze %dma_start3A_20 : memref<1x125x80xi32, #tpu.memory_space<hbm>> -> memref<125x80xi32, #tpu.memory_space<hbm>>
      %dma_start3A_22 = arith.constant 0 : i32
      %dma_start3A_23 = arith.constant 0 : i32
      %dma_start3A_24 = tpu.memref_slice %arg4[%arg1, %dma_start3A_22, %dma_start3A_23] : memref<16x125x80xi32, #tpu.memory_space<hbm>> -> memref<1x125x80xi32, #tpu.memory_space<hbm>>
      %dma_start3A_25 = tpu.memref_squeeze %dma_start3A_24 : memref<1x125x80xi32, #tpu.memory_space<hbm>> -> memref<125x80xi32, #tpu.memory_space<hbm>>
      tpu.enqueue_dma source(%dma_start3A_25 : memref<125x80xi32, #tpu.memory_space<hbm>>) target(%arg9 : memref<125x80xi32, #tpu.memory_space<vmem>>) target_semaphore(%run_scoped3A : memref<!tpu.dma_semaphore, #tpu.memory_space<semaphore_mem>>)
      %dma_wait3A = arith.constant 0 : i32
      %dma_wait3A_26 = arith.constant 0 : i32
      %dma_wait3A_27 = tpu.memref_slice %arg4[%arg1, %dma_wait3A, %dma_wait3A_26] : memref<16x125x80xi32, #tpu.memory_space<hbm>> -> memref<1x125x80xi32, #tpu.memory_space<hbm>>
      %dma_wait3A_28 = tpu.memref_squeeze %dma_wait3A_27 : memref<1x125x80xi32, #tpu.memory_space<hbm>> -> memref<125x80xi32, #tpu.memory_space<hbm>>
      %dma_wait3A_29 = arith.constant 0 : i32
      %dma_wait3A_30 = arith.constant 0 : i32
      %dma_wait3A_31 = tpu.memref_slice %arg4[%arg1, %dma_wait3A_29, %dma_wait3A_30] : memref<16x125x80xi32, #tpu.memory_space<hbm>> -> memref<1x125x80xi32, #tpu.memory_space<hbm>>
      %dma_wait3A_32 = tpu.memref_squeeze %dma_wait3A_31 : memref<1x125x80xi32, #tpu.memory_space<hbm>> -> memref<125x80xi32, #tpu.memory_space<hbm>>
      tpu.wait_dma2 semaphore(%run_scoped3A : memref<!tpu.dma_semaphore, #tpu.memory_space<semaphore_mem>>) src(%dma_wait3A_32 : memref<125x80xi32, #tpu.memory_space<hbm>>) dst(%arg9 : memref<125x80xi32, #tpu.memory_space<vmem>>)
      tpu.yield
    }) : () -> ()
    "tpu.region"() ({
      %run_scoped3A = tpu.sem_alloc : memref<!tpu.dma_semaphore, #tpu.memory_space<semaphore_mem>>
      %dma_start3A = arith.constant 0 : i32
      %dma_start3A_19 = arith.constant 0 : i32
      %dma_start3A_20 = tpu.memref_slice %arg5[%arg1, %dma_start3A, %dma_start3A_19] : memref<16x125x80xi32, #tpu.memory_space<hbm>> -> memref<1x125x80xi32, #tpu.memory_space<hbm>>
      %dma_start3A_21 = tpu.memref_squeeze %dma_start3A_20 : memref<1x125x80xi32, #tpu.memory_space<hbm>> -> memref<125x80xi32, #tpu.memory_space<hbm>>
      %dma_start3A_22 = arith.constant 0 : i32
      %dma_start3A_23 = arith.constant 0 : i32
      %dma_start3A_24 = tpu.memref_slice %arg5[%arg1, %dma_start3A_22, %dma_start3A_23] : memref<16x125x80xi32, #tpu.memory_space<hbm>> -> memref<1x125x80xi32, #tpu.memory_space<hbm>>
      %dma_start3A_25 = tpu.memref_squeeze %dma_start3A_24 : memref<1x125x80xi32, #tpu.memory_space<hbm>> -> memref<125x80xi32, #tpu.memory_space<hbm>>
      tpu.enqueue_dma source(%dma_start3A_25 : memref<125x80xi32, #tpu.memory_space<hbm>>) target(%arg10 : memref<125x80xi32, #tpu.memory_space<vmem>>) target_semaphore(%run_scoped3A : memref<!tpu.dma_semaphore, #tpu.memory_space<semaphore_mem>>)
      %dma_wait3A = arith.constant 0 : i32
      %dma_wait3A_26 = arith.constant 0 : i32
      %dma_wait3A_27 = tpu.memref_slice %arg5[%arg1, %dma_wait3A, %dma_wait3A_26] : memref<16x125x80xi32, #tpu.memory_space<hbm>> -> memref<1x125x80xi32, #tpu.memory_space<hbm>>
      %dma_wait3A_28 = tpu.memref_squeeze %dma_wait3A_27 : memref<1x125x80xi32, #tpu.memory_space<hbm>> -> memref<125x80xi32, #tpu.memory_space<hbm>>
      %dma_wait3A_29 = arith.constant 0 : i32
      %dma_wait3A_30 = arith.constant 0 : i32
      %dma_wait3A_31 = tpu.memref_slice %arg5[%arg1, %dma_wait3A_29, %dma_wait3A_30] : memref<16x125x80xi32, #tpu.memory_space<hbm>> -> memref<1x125x80xi32, #tpu.memory_space<hbm>>
      %dma_wait3A_32 = tpu.memref_squeeze %dma_wait3A_31 : memref<1x125x80xi32, #tpu.memory_space<hbm>> -> memref<125x80xi32, #tpu.memory_space<hbm>>
      tpu.wait_dma2 semaphore(%run_scoped3A : memref<!tpu.dma_semaphore, #tpu.memory_space<semaphore_mem>>) src(%dma_wait3A_32 : memref<125x80xi32, #tpu.memory_space<hbm>>) dst(%arg10 : memref<125x80xi32, #tpu.memory_space<vmem>>)
      tpu.yield
    }) : () -> ()
    "tpu.region"() ({
      %run_scoped3A = tpu.sem_alloc : memref<!tpu.dma_semaphore, #tpu.memory_space<semaphore_mem>>
      %dma_start3A = arith.constant 0 : i32
      %dma_start3A_19 = tpu.memref_slice %arg12[%multiple_of3A, %dma_start3A] : memref<10240x128xf32, #tpu.memory_space<vmem_shared>> -> memref<640x128xf32, #tpu.memory_space<vmem_shared>>
      tpu.enqueue_dma source(%arg6 : memref<640x128xf32, #tpu.memory_space<hbm>>) target(%dma_start3A_19 : memref<640x128xf32, #tpu.memory_space<vmem_shared>>) target_semaphore(%run_scoped3A : memref<!tpu.dma_semaphore, #tpu.memory_space<semaphore_mem>>)
      %dma_wait3A = arith.constant 0 : i32
      %dma_wait3A_20 = tpu.memref_slice %arg12[%multiple_of3A, %dma_wait3A] : memref<10240x128xf32, #tpu.memory_space<vmem_shared>> -> memref<640x128xf32, #tpu.memory_space<vmem_shared>>
      tpu.wait_dma2 semaphore(%run_scoped3A : memref<!tpu.dma_semaphore, #tpu.memory_space<semaphore_mem>>) src(%arg6 : memref<640x128xf32, #tpu.memory_space<hbm>>) dst(%dma_wait3A_20 : memref<640x128xf32, #tpu.memory_space<vmem_shared>>)
      tpu.yield
    }) : () -> ()
    %barrier3A = arith.constant 0 : index
    tpu.barrier barrier_id(%barrier3A)
    %eq3A = arith.constant 0 : i32
    %eq3A_1 = arith.cmpi eq, %arg0, %eq3A : i32
    %convert_element_type3A = arith.extui %eq3A_1 : i1 to i32
    %cond3A = arith.constant 0 : i32
    %cond3A_2 = arith.cmpi ne, %convert_element_type3A, %cond3A : i32
    scf.if %cond3A_2 {
      %scan3A = arith.constant 0 : i32
      %scan3A_19 = arith.constant 0 : i32
      %scan3A_20 = arith.constant 125 : i32
      %scan3A_21 = arith.addi %scan3A_19, %scan3A_20 : i32
      %scan3A_22 = arith.constant 1 : i32
      scf.for %scan3A_24 = %scan3A_19 to %scan3A_21 step %scan3A_22  : i32 {
        %dma_start3A = arith.constant 0 : i32
        %dma_start3A_25 = tpu.memref_slice %arg9[%scan3A_24, %dma_start3A] : memref<125x80xi32, #tpu.memory_space<vmem>> -> memref<1x80xi32, #tpu.memory_space<vmem>>
        %dma_start3A_26 = tpu.memref_squeeze %dma_start3A_25 : memref<1x80xi32, #tpu.memory_space<vmem>> -> memref<80xi32, #tpu.memory_space<vmem>>
        %dma_start3A_27 = arith.constant 0 : i32
        %dma_start3A_28 = arith.constant 0 : i32
        %dma_start3A_29 = tpu.memref_slice %arg2[%dma_start3A_27, %dma_start3A_28] : memref<10000x128xf32, #tpu.memory_space<hbm>> -> memref<10000x128xf32, #tpu.memory_space<hbm>>
        tpu.enqueue_indirect_dma source(%dma_start3A_29 : memref<10000x128xf32, #tpu.memory_space<hbm>>) target(%arg11 : memref<80x128xf32, #tpu.memory_space<vmem>>) offsets(%dma_start3A_26 : memref<80xi32, #tpu.memory_space<vmem>>) semaphore(%arg13 : memref<!tpu.dma_semaphore, #tpu.memory_space<semaphore_mem>>)
        %dma_wait3A = arith.constant 0 : i32
        %dma_wait3A_30 = tpu.memref_slice %arg9[%scan3A_24, %dma_wait3A] : memref<125x80xi32, #tpu.memory_space<vmem>> -> memref<1x80xi32, #tpu.memory_space<vmem>>
        %dma_wait3A_31 = tpu.memref_squeeze %dma_wait3A_30 : memref<1x80xi32, #tpu.memory_space<vmem>> -> memref<80xi32, #tpu.memory_space<vmem>>
        %dma_wait3A_32 = arith.constant 0 : i32
        %dma_wait3A_33 = arith.constant 0 : i32
        %dma_wait3A_34 = tpu.memref_slice %arg2[%dma_wait3A_32, %dma_wait3A_33] : memref<10000x128xf32, #tpu.memory_space<hbm>> -> memref<10000x128xf32, #tpu.memory_space<hbm>>
        tpu.wait_indirect_dma semaphore(%arg13 : memref<!tpu.dma_semaphore, #tpu.memory_space<semaphore_mem>>) src(%dma_wait3A_34 : memref<10000x128xf32, #tpu.memory_space<hbm>>) dst(%arg11 : memref<80x128xf32, #tpu.memory_space<vmem>>)
        "tpu.region"() ({
          %run_scoped3A = tpu.sem_alloc : memref<!tpu.dma_semaphore, #tpu.memory_space<semaphore_mem>>
          %dma_start3A_35 = arith.constant 0 : i32
          %dma_start3A_36 = tpu.memref_slice %arg10[%scan3A_24, %dma_start3A_35] : memref<125x80xi32, #tpu.memory_space<vmem>> -> memref<1x80xi32, #tpu.memory_space<vmem>>
          %dma_start3A_37 = tpu.memref_squeeze %dma_start3A_36 : memref<1x80xi32, #tpu.memory_space<vmem>> -> memref<80xi32, #tpu.memory_space<vmem>>
          %dma_start3A_38 = arith.constant 0 : i32
          %dma_start3A_39 = arith.constant 0 : i32
          %dma_start3A_40 = tpu.memref_slice %arg12[%dma_start3A_38, %dma_start3A_39] : memref<10240x128xf32, #tpu.memory_space<vmem_shared>> -> memref<10240x128xf32, #tpu.memory_space<vmem_shared>>
          tpu.enqueue_indirect_dma source(%arg11 : memref<80x128xf32, #tpu.memory_space<vmem>>) target(%dma_start3A_40 : memref<10240x128xf32, #tpu.memory_space<vmem_shared>>) offsets(%dma_start3A_37 : memref<80xi32, #tpu.memory_space<vmem>>) semaphore(%run_scoped3A : memref<!tpu.dma_semaphore, #tpu.memory_space<semaphore_mem>>) {add = true}
          %dma_wait3A_41 = arith.constant 0 : i32
          %dma_wait3A_42 = tpu.memref_slice %arg10[%scan3A_24, %dma_wait3A_41] : memref<125x80xi32, #tpu.memory_space<vmem>> -> memref<1x80xi32, #tpu.memory_space<vmem>>
          %dma_wait3A_43 = tpu.memref_squeeze %dma_wait3A_42 : memref<1x80xi32, #tpu.memory_space<vmem>> -> memref<80xi32, #tpu.memory_space<vmem>>
          %dma_wait3A_44 = arith.constant 0 : i32
          %dma_wait3A_45 = arith.constant 0 : i32
          %dma_wait3A_46 = tpu.memref_slice %arg12[%dma_wait3A_44, %dma_wait3A_45] : memref<10240x128xf32, #tpu.memory_space<vmem_shared>> -> memref<10240x128xf32, #tpu.memory_space<vmem_shared>>
          tpu.wait_indirect_dma semaphore(%run_scoped3A : memref<!tpu.dma_semaphore, #tpu.memory_space<semaphore_mem>>) src(%arg11 : memref<80x128xf32, #tpu.memory_space<vmem>>) dst(%dma_wait3A_46 : memref<10240x128xf32, #tpu.memory_space<vmem_shared>>)
          tpu.yield
        }) : () -> ()
      }
      %scan3A_23 = arith.constant 125 : i32
    } else {
    }
    %eq3A_3 = arith.constant 1 : i32
    %eq3A_4 = arith.cmpi eq, %arg0, %eq3A_3 : i32
    %convert_element_type3A_5 = arith.extui %eq3A_4 : i1 to i32
    %cond3A_6 = arith.constant 0 : i32
    %cond3A_7 = arith.cmpi ne, %convert_element_type3A_5, %cond3A_6 : i32
    scf.if %cond3A_7 {
      %scan3A = arith.constant 0 : i32
      %scan3A_19 = arith.constant 0 : i32
      %scan3A_20 = arith.constant 125 : i32
      %scan3A_21 = arith.addi %scan3A_19, %scan3A_20 : i32
      %scan3A_22 = arith.constant 1 : i32
      scf.for %scan3A_24 = %scan3A_19 to %scan3A_21 step %scan3A_22  : i32 {
        %dma_start3A = arith.constant 0 : i32
        %dma_start3A_25 = tpu.memref_slice %arg9[%scan3A_24, %dma_start3A] : memref<125x80xi32, #tpu.memory_space<vmem>> -> memref<1x80xi32, #tpu.memory_space<vmem>>
        %dma_start3A_26 = tpu.memref_squeeze %dma_start3A_25 : memref<1x80xi32, #tpu.memory_space<vmem>> -> memref<80xi32, #tpu.memory_space<vmem>>
        %dma_start3A_27 = arith.constant 0 : i32
        %dma_start3A_28 = arith.constant 0 : i32
        %dma_start3A_29 = tpu.memref_slice %arg3[%dma_start3A_27, %dma_start3A_28] : memref<10000x128xf32, #tpu.memory_space<hbm>> -> memref<10000x128xf32, #tpu.memory_space<hbm>>
        tpu.enqueue_indirect_dma source(%dma_start3A_29 : memref<10000x128xf32, #tpu.memory_space<hbm>>) target(%arg11 : memref<80x128xf32, #tpu.memory_space<vmem>>) offsets(%dma_start3A_26 : memref<80xi32, #tpu.memory_space<vmem>>) semaphore(%arg13 : memref<!tpu.dma_semaphore, #tpu.memory_space<semaphore_mem>>)
        %dma_wait3A = arith.constant 0 : i32
        %dma_wait3A_30 = tpu.memref_slice %arg9[%scan3A_24, %dma_wait3A] : memref<125x80xi32, #tpu.memory_space<vmem>> -> memref<1x80xi32, #tpu.memory_space<vmem>>
        %dma_wait3A_31 = tpu.memref_squeeze %dma_wait3A_30 : memref<1x80xi32, #tpu.memory_space<vmem>> -> memref<80xi32, #tpu.memory_space<vmem>>
        %dma_wait3A_32 = arith.constant 0 : i32
        %dma_wait3A_33 = arith.constant 0 : i32
        %dma_wait3A_34 = tpu.memref_slice %arg3[%dma_wait3A_32, %dma_wait3A_33] : memref<10000x128xf32, #tpu.memory_space<hbm>> -> memref<10000x128xf32, #tpu.memory_space<hbm>>
        tpu.wait_indirect_dma semaphore(%arg13 : memref<!tpu.dma_semaphore, #tpu.memory_space<semaphore_mem>>) src(%dma_wait3A_34 : memref<10000x128xf32, #tpu.memory_space<hbm>>) dst(%arg11 : memref<80x128xf32, #tpu.memory_space<vmem>>)
        "tpu.region"() ({
          %run_scoped3A = tpu.sem_alloc : memref<!tpu.dma_semaphore, #tpu.memory_space<semaphore_mem>>
          %dma_start3A_35 = arith.constant 0 : i32
          %dma_start3A_36 = tpu.memref_slice %arg10[%scan3A_24, %dma_start3A_35] : memref<125x80xi32, #tpu.memory_space<vmem>> -> memref<1x80xi32, #tpu.memory_space<vmem>>
          %dma_start3A_37 = tpu.memref_squeeze %dma_start3A_36 : memref<1x80xi32, #tpu.memory_space<vmem>> -> memref<80xi32, #tpu.memory_space<vmem>>
          %dma_start3A_38 = arith.constant 0 : i32
          %dma_start3A_39 = arith.constant 0 : i32
          %dma_start3A_40 = tpu.memref_slice %arg12[%dma_start3A_38, %dma_start3A_39] : memref<10240x128xf32, #tpu.memory_space<vmem_shared>> -> memref<10240x128xf32, #tpu.memory_space<vmem_shared>>
          tpu.enqueue_indirect_dma source(%arg11 : memref<80x128xf32, #tpu.memory_space<vmem>>) target(%dma_start3A_40 : memref<10240x128xf32, #tpu.memory_space<vmem_shared>>) offsets(%dma_start3A_37 : memref<80xi32, #tpu.memory_space<vmem>>) semaphore(%run_scoped3A : memref<!tpu.dma_semaphore, #tpu.memory_space<semaphore_mem>>) {add = true}
          %dma_wait3A_41 = arith.constant 0 : i32
          %dma_wait3A_42 = tpu.memref_slice %arg10[%scan3A_24, %dma_wait3A_41] : memref<125x80xi32, #tpu.memory_space<vmem>> -> memref<1x80xi32, #tpu.memory_space<vmem>>
          %dma_wait3A_43 = tpu.memref_squeeze %dma_wait3A_42 : memref<1x80xi32, #tpu.memory_space<vmem>> -> memref<80xi32, #tpu.memory_space<vmem>>
          %dma_wait3A_44 = arith.constant 0 : i32
          %dma_wait3A_45 = arith.constant 0 : i32
          %dma_wait3A_46 = tpu.memref_slice %arg12[%dma_wait3A_44, %dma_wait3A_45] : memref<10240x128xf32, #tpu.memory_space<vmem_shared>> -> memref<10240x128xf32, #tpu.memory_space<vmem_shared>>
          tpu.wait_indirect_dma semaphore(%run_scoped3A : memref<!tpu.dma_semaphore, #tpu.memory_space<semaphore_mem>>) src(%arg11 : memref<80x128xf32, #tpu.memory_space<vmem>>) dst(%dma_wait3A_46 : memref<10240x128xf32, #tpu.memory_space<vmem_shared>>)
          tpu.yield
        }) : () -> ()
      }
      %scan3A_23 = arith.constant 125 : i32
    } else {
    }
    %barrier3A_8 = arith.constant 0 : index
    tpu.barrier barrier_id(%barrier3A_8)
    %eq3A_9 = arith.constant 0 : i32
    %eq3A_10 = arith.cmpi eq, %arg0, %eq3A_9 : i32
    %convert_element_type3A_11 = arith.extui %eq3A_10 : i1 to i32
    %cond3A_12 = arith.constant 0 : i32
    %cond3A_13 = arith.cmpi ne, %convert_element_type3A_11, %cond3A_12 : i32
    scf.if %cond3A_13 {
      %lt3A = arith.constant 15 : i32
      %lt3A_19 = arith.cmpi slt, %arg1, %lt3A : i32
      %convert_element_type3A_20 = arith.extui %lt3A_19 : i1 to i32
      %cond3A_21 = arith.constant 0 : i32
      %cond3A_22 = arith.cmpi ne, %convert_element_type3A_20, %cond3A_21 : i32
      scf.if %cond3A_22 {
        "tpu.region"() ({
          %run_scoped3A = tpu.sem_alloc : memref<!tpu.dma_semaphore, #tpu.memory_space<semaphore_mem>>
          %dma_start3A = arith.constant 0 : i32
          %dma_start3A_28 = tpu.memref_slice %arg7[%multiple_of3A, %dma_start3A] : memref<10000x128xf32, #tpu.memory_space<hbm>> -> memref<640x128xf32, #tpu.memory_space<hbm>>
          %dma_start3A_29 = arith.constant 0 : i32
          %dma_start3A_30 = tpu.memref_slice %arg12[%multiple_of3A, %dma_start3A_29] : memref<10240x128xf32, #tpu.memory_space<vmem_shared>> -> memref<640x128xf32, #tpu.memory_space<vmem_shared>>
          tpu.enqueue_dma source(%dma_start3A_30 : memref<640x128xf32, #tpu.memory_space<vmem_shared>>) target(%dma_start3A_28 : memref<640x128xf32, #tpu.memory_space<hbm>>) target_semaphore(%run_scoped3A : memref<!tpu.dma_semaphore, #tpu.memory_space<semaphore_mem>>)
          %dma_wait3A = arith.constant 0 : i32
          %dma_wait3A_31 = tpu.memref_slice %arg7[%multiple_of3A, %dma_wait3A] : memref<10000x128xf32, #tpu.memory_space<hbm>> -> memref<640x128xf32, #tpu.memory_space<hbm>>
          %dma_wait3A_32 = arith.constant 0 : i32
          %dma_wait3A_33 = tpu.memref_slice %arg12[%multiple_of3A, %dma_wait3A_32] : memref<10240x128xf32, #tpu.memory_space<vmem_shared>> -> memref<640x128xf32, #tpu.memory_space<vmem_shared>>
          tpu.wait_dma2 semaphore(%run_scoped3A : memref<!tpu.dma_semaphore, #tpu.memory_space<semaphore_mem>>) src(%dma_wait3A_33 : memref<640x128xf32, #tpu.memory_space<vmem_shared>>) dst(%dma_wait3A_31 : memref<640x128xf32, #tpu.memory_space<hbm>>)
          tpu.yield
        }) : () -> ()
      } else {
      }
      %eq3A_23 = arith.constant 15 : i32
      %eq3A_24 = arith.cmpi eq, %arg1, %eq3A_23 : i32
      %convert_element_type3A_25 = arith.extui %eq3A_24 : i1 to i32
      %cond3A_26 = arith.constant 0 : i32
      %cond3A_27 = arith.cmpi ne, %convert_element_type3A_25, %cond3A_26 : i32
      scf.if %cond3A_27 {
        "tpu.region"() ({
          %run_scoped3A = tpu.sem_alloc : memref<!tpu.dma_semaphore, #tpu.memory_space<semaphore_mem>>
          %dma_start3A = arith.constant 9600 : i32
          %dma_start3A_28 = arith.constant 0 : i32
          %dma_start3A_29 = tpu.memref_slice %arg7[%dma_start3A, %dma_start3A_28] : memref<10000x128xf32, #tpu.memory_space<hbm>> -> memref<400x128xf32, #tpu.memory_space<hbm>>
          %dma_start3A_30 = arith.constant 9600 : i32
          %dma_start3A_31 = arith.constant 0 : i32
          %dma_start3A_32 = tpu.memref_slice %arg12[%dma_start3A_30, %dma_start3A_31] : memref<10240x128xf32, #tpu.memory_space<vmem_shared>> -> memref<400x128xf32, #tpu.memory_space<vmem_shared>>
          tpu.enqueue_dma source(%dma_start3A_32 : memref<400x128xf32, #tpu.memory_space<vmem_shared>>) target(%dma_start3A_29 : memref<400x128xf32, #tpu.memory_space<hbm>>) target_semaphore(%run_scoped3A : memref<!tpu.dma_semaphore, #tpu.memory_space<semaphore_mem>>)
          %dma_wait3A = arith.constant 9600 : i32
          %dma_wait3A_33 = arith.constant 0 : i32
          %dma_wait3A_34 = tpu.memref_slice %arg7[%dma_wait3A, %dma_wait3A_33] : memref<10000x128xf32, #tpu.memory_space<hbm>> -> memref<400x128xf32, #tpu.memory_space<hbm>>
          %dma_wait3A_35 = arith.constant 9600 : i32
          %dma_wait3A_36 = arith.constant 0 : i32
          %dma_wait3A_37 = tpu.memref_slice %arg12[%dma_wait3A_35, %dma_wait3A_36] : memref<10240x128xf32, #tpu.memory_space<vmem_shared>> -> memref<400x128xf32, #tpu.memory_space<vmem_shared>>
          tpu.wait_dma2 semaphore(%run_scoped3A : memref<!tpu.dma_semaphore, #tpu.memory_space<semaphore_mem>>) src(%dma_wait3A_37 : memref<400x128xf32, #tpu.memory_space<vmem_shared>>) dst(%dma_wait3A_34 : memref<400x128xf32, #tpu.memory_space<hbm>>)
          tpu.yield
        }) : () -> ()
      } else {
      }
    } else {
    }
    %eq3A_14 = arith.constant 1 : i32
    %eq3A_15 = arith.cmpi eq, %arg0, %eq3A_14 : i32
    %convert_element_type3A_16 = arith.extui %eq3A_15 : i1 to i32
    %cond3A_17 = arith.constant 0 : i32
    %cond3A_18 = arith.cmpi ne, %convert_element_type3A_16, %cond3A_17 : i32
    scf.if %cond3A_18 {
      %lt3A = arith.constant 15 : i32
      %lt3A_19 = arith.cmpi slt, %arg1, %lt3A : i32
      %convert_element_type3A_20 = arith.extui %lt3A_19 : i1 to i32
      %cond3A_21 = arith.constant 0 : i32
      %cond3A_22 = arith.cmpi ne, %convert_element_type3A_20, %cond3A_21 : i32
      scf.if %cond3A_22 {
        "tpu.region"() ({
          %run_scoped3A = tpu.sem_alloc : memref<!tpu.dma_semaphore, #tpu.memory_space<semaphore_mem>>
          %dma_start3A = arith.constant 0 : i32
          %dma_start3A_28 = tpu.memref_slice %arg8[%multiple_of3A, %dma_start3A] : memref<10000x128xf32, #tpu.memory_space<hbm>> -> memref<640x128xf32, #tpu.memory_space<hbm>>
          %dma_start3A_29 = arith.constant 0 : i32
          %dma_start3A_30 = tpu.memref_slice %arg12[%multiple_of3A, %dma_start3A_29] : memref<10240x128xf32, #tpu.memory_space<vmem_shared>> -> memref<640x128xf32, #tpu.memory_space<vmem_shared>>
          tpu.enqueue_dma source(%dma_start3A_30 : memref<640x128xf32, #tpu.memory_space<vmem_shared>>) target(%dma_start3A_28 : memref<640x128xf32, #tpu.memory_space<hbm>>) target_semaphore(%run_scoped3A : memref<!tpu.dma_semaphore, #tpu.memory_space<semaphore_mem>>)
          %dma_wait3A = arith.constant 0 : i32
          %dma_wait3A_31 = tpu.memref_slice %arg8[%multiple_of3A, %dma_wait3A] : memref<10000x128xf32, #tpu.memory_space<hbm>> -> memref<640x128xf32, #tpu.memory_space<hbm>>
          %dma_wait3A_32 = arith.constant 0 : i32
          %dma_wait3A_33 = tpu.memref_slice %arg12[%multiple_of3A, %dma_wait3A_32] : memref<10240x128xf32, #tpu.memory_space<vmem_shared>> -> memref<640x128xf32, #tpu.memory_space<vmem_shared>>
          tpu.wait_dma2 semaphore(%run_scoped3A : memref<!tpu.dma_semaphore, #tpu.memory_space<semaphore_mem>>) src(%dma_wait3A_33 : memref<640x128xf32, #tpu.memory_space<vmem_shared>>) dst(%dma_wait3A_31 : memref<640x128xf32, #tpu.memory_space<hbm>>)
          tpu.yield
        }) : () -> ()
      } else {
      }
      %eq3A_23 = arith.constant 15 : i32
      %eq3A_24 = arith.cmpi eq, %arg1, %eq3A_23 : i32
      %convert_element_type3A_25 = arith.extui %eq3A_24 : i1 to i32
      %cond3A_26 = arith.constant 0 : i32
      %cond3A_27 = arith.cmpi ne, %convert_element_type3A_25, %cond3A_26 : i32
      scf.if %cond3A_27 {
        "tpu.region"() ({
          %run_scoped3A = tpu.sem_alloc : memref<!tpu.dma_semaphore, #tpu.memory_space<semaphore_mem>>
          %dma_start3A = arith.constant 9600 : i32
          %dma_start3A_28 = arith.constant 0 : i32
          %dma_start3A_29 = tpu.memref_slice %arg8[%dma_start3A, %dma_start3A_28] : memref<10000x128xf32, #tpu.memory_space<hbm>> -> memref<400x128xf32, #tpu.memory_space<hbm>>
          %dma_start3A_30 = arith.constant 9600 : i32
          %dma_start3A_31 = arith.constant 0 : i32
          %dma_start3A_32 = tpu.memref_slice %arg12[%dma_start3A_30, %dma_start3A_31] : memref<10240x128xf32, #tpu.memory_space<vmem_shared>> -> memref<400x128xf32, #tpu.memory_space<vmem_shared>>
          tpu.enqueue_dma source(%dma_start3A_32 : memref<400x128xf32, #tpu.memory_space<vmem_shared>>) target(%dma_start3A_29 : memref<400x128xf32, #tpu.memory_space<hbm>>) target_semaphore(%run_scoped3A : memref<!tpu.dma_semaphore, #tpu.memory_space<semaphore_mem>>)
          %dma_wait3A = arith.constant 9600 : i32
          %dma_wait3A_33 = arith.constant 0 : i32
          %dma_wait3A_34 = tpu.memref_slice %arg8[%dma_wait3A, %dma_wait3A_33] : memref<10000x128xf32, #tpu.memory_space<hbm>> -> memref<400x128xf32, #tpu.memory_space<hbm>>
          %dma_wait3A_35 = arith.constant 9600 : i32
          %dma_wait3A_36 = arith.constant 0 : i32
          %dma_wait3A_37 = tpu.memref_slice %arg12[%dma_wait3A_35, %dma_wait3A_36] : memref<10240x128xf32, #tpu.memory_space<vmem_shared>> -> memref<400x128xf32, #tpu.memory_space<vmem_shared>>
          tpu.wait_dma2 semaphore(%run_scoped3A : memref<!tpu.dma_semaphore, #tpu.memory_space<semaphore_mem>>) src(%dma_wait3A_37 : memref<400x128xf32, #tpu.memory_space<vmem_shared>>) dst(%dma_wait3A_34 : memref<400x128xf32, #tpu.memory_space<hbm>>)
          tpu.yield
        }) : () -> ()
      } else {
      }
    } else {
    }
    return
  }
}

module attributes {stable_mosaic.version = 14 : i64} {
  func.func @_mm_body(%arg0: i32, %arg1: memref<1000x256xf32, #tpu.memory_space<vmem>>, %arg2: memref<256x256xf32, #tpu.memory_space<vmem>>, %arg3: memref<1000x256xf32, #tpu.memory_space<vmem>>) attributes {dimension_semantics = [#tpu.dimension_semantics<arbitrary>], iteration_bounds = array<i64: 10>, scalar_prefetch = 0 : i64, scratch_operands = 0 : i64, tpu.core_type = #tpu.core_type<tc>, window_params = [{transform_indices = @transform_0, window_bounds = array<i64: 1000, 256>}, {pipeline_mode = #tpu.pipeline_mode<synchronous>, transform_indices = @transform_1, window_bounds = array<i64: 256, 256>}, {transform_indices = @transform_2, window_bounds = array<i64: 1000, 256>}]} {
    %get3A = arith.constant 0 : index
    %get3A_0 = arith.constant 0 : index
    %get3A_1 = vector.load %arg1[%get3A, %get3A_0] : memref<1000x256xf32, #tpu.memory_space<vmem>>, vector<1000x256xf32>
    %get3A_2 = arith.constant 0 : index
    %get3A_3 = arith.constant 0 : index
    %get3A_4 = vector.load %arg2[%get3A_2, %get3A_3] : memref<256x256xf32, #tpu.memory_space<vmem>>, vector<256x256xf32>
    %dot_general3A = arith.constant dense<0.000000e+00> : vector<1000x256xf32>
    %dot_general3A_5 = tpu.matmul %get3A_1, %get3A_4, %dot_general3A {dimension_numbers = #tpu.dot_dimension_numbers<[1], [0], [0], [1], [0, 0, 1, 1], [], []>, transpose_lhs_hint = false} : vector<1000x256xf32>, vector<256x256xf32>, vector<1000x256xf32> -> vector<1000x256xf32>
    %swap3A = arith.constant 0 : index
    %swap3A_6 = arith.constant 0 : index
    %swap3A_7 = vector.load %arg3[%swap3A, %swap3A_6] : memref<1000x256xf32, #tpu.memory_space<vmem>>, vector<1000x256xf32>
    tpu.vector_store %arg3[%swap3A, %swap3A_6], %dot_general3A_5 {strides = array<i32>} : memref<1000x256xf32, #tpu.memory_space<vmem>>, vector<1000x256xf32>,
    return
  }
  func.func @transform_0(%arg0: i32) -> (i32, i32) {
    %c0_i32 = arith.constant 0 : i32
    %c0_i32_0 = arith.constant 0 : i32
    return %arg0, %c0_i32 : i32, i32
  }
  func.func @transform_1(%arg0: i32) -> (i32, i32) {
    %c0_i32 = arith.constant 0 : i32
    %c0_i32_0 = arith.constant 0 : i32
    %c0_i32_1 = arith.constant 0 : i32
    return %c0_i32, %c0_i32_0 : i32, i32
  }
  func.func @transform_2(%arg0: i32) -> (i32, i32) {
    %c0_i32 = arith.constant 0 : i32
    %c0_i32_0 = arith.constant 0 : i32
    return %arg0, %c0_i32 : i32, i32
  }
}

module attributes {stable_mosaic.version = 14 : i64} {
  func.func @_pool_body(%arg0: i32, %arg1: memref<1000x256xf32, #tpu.memory_space<vmem>>, %arg2: memref<1x1x1000xi32, #tpu.memory_space<vmem>>, %arg3: memref<64x256xf32, #tpu.memory_space<vmem>>) attributes {dimension_semantics = [#tpu.dimension_semantics<arbitrary>], iteration_bounds = array<i64: 10>, scalar_prefetch = 0 : i64, scratch_operands = 0 : i64, tpu.core_type = #tpu.core_type<tc>, window_params = [{transform_indices = @transform_0, window_bounds = array<i64: 1000, 256>}, {transform_indices = @transform_1, window_bounds = array<i64: 1, 1, 1000>}, {pipeline_mode = #tpu.pipeline_mode<synchronous>, transform_indices = @transform_2, window_bounds = array<i64: 64, 256>}]} {
    %get3A = arith.constant 0 : index
    %get3A_0 = arith.constant 0 : index
    %get3A_1 = arith.constant 0 : index
    %get3A_2 = vector.load %arg2[%get3A, %get3A_0, %get3A_1] : memref<1x1x1000xi32, #tpu.memory_space<vmem>>, vector<1x1x1000xi32>
    %get3A_3 = vector.shape_cast %get3A_2 : vector<1x1x1000xi32> to vector<1x1000xi32>
    %iota3A = tpu.iota {dimensions = array<i32: 0>} : vector<64x1000xi32>
    %eq3A = vector.broadcast %get3A_3 : vector<1x1000xi32> to vector<64x1000xi32>
    %eq3A_4 = arith.cmpi eq, %iota3A, %eq3A : vector<64x1000xi32>
    %convert_element_type3A = arith.extui %eq3A_4 : vector<64x1000xi1> to vector<64x1000xi32>
    %convert_element_type3A_5 = arith.sitofp %convert_element_type3A : vector<64x1000xi32> to vector<64x1000xf32>
    %get3A_6 = arith.constant 0 : index
    %get3A_7 = arith.constant 0 : index
    %get3A_8 = vector.load %arg1[%get3A_6, %get3A_7] : memref<1000x256xf32, #tpu.memory_space<vmem>>, vector<1000x256xf32>
    %dot_general3A = arith.constant dense<0.000000e+00> : vector<64x256xf32>
    %dot_general3A_9 = tpu.matmul %convert_element_type3A_5, %get3A_8, %dot_general3A {dimension_numbers = #tpu.dot_dimension_numbers<[1], [0], [0], [1], [0, 0, 1, 1], [], []>, precision = #tpu.contract_precision<fp32>, transpose_lhs_hint = false} : vector<64x1000xf32>, vector<1000x256xf32>, vector<64x256xf32> -> vector<64x256xf32>
    %eq3A_10 = arith.constant 0 : i32
    %eq3A_11 = arith.cmpi eq, %arg0, %eq3A_10 : i32
    %convert_element_type3A_12 = arith.extui %eq3A_11 : i1 to i32
    %cond3A = arith.constant 0 : i32
    %cond3A_13 = arith.cmpi ne, %convert_element_type3A_12, %cond3A : i32
    scf.if %cond3A_13 {
      %swap3A = arith.constant 0 : index
      %swap3A_18 = arith.constant 0 : index
      %swap3A_19 = vector.load %arg3[%swap3A, %swap3A_18] : memref<64x256xf32, #tpu.memory_space<vmem>>, vector<64x256xf32>
      tpu.vector_store %arg3[%swap3A, %swap3A_18], %dot_general3A_9 {strides = array<i32>} : memref<64x256xf32, #tpu.memory_space<vmem>>, vector<64x256xf32>,
    } else {
    }
    %ne3A = arith.constant 0 : i32
    %ne3A_14 = arith.cmpi ne, %arg0, %ne3A : i32
    %convert_element_type3A_15 = arith.extui %ne3A_14 : i1 to i32
    %cond3A_16 = arith.constant 0 : i32
    %cond3A_17 = arith.cmpi ne, %convert_element_type3A_15, %cond3A_16 : i32
    scf.if %cond3A_17 {
      %get3A_18 = arith.constant 0 : index
      %get3A_19 = arith.constant 0 : index
      %get3A_20 = vector.load %arg3[%get3A_18, %get3A_19] : memref<64x256xf32, #tpu.memory_space<vmem>>, vector<64x256xf32>
      %add3A = arith.addf %get3A_20, %dot_general3A_9 : vector<64x256xf32>
      %swap3A = arith.constant 0 : index
      %swap3A_21 = arith.constant 0 : index
      %swap3A_22 = vector.load %arg3[%swap3A, %swap3A_21] : memref<64x256xf32, #tpu.memory_space<vmem>>, vector<64x256xf32>
      tpu.vector_store %arg3[%swap3A, %swap3A_21], %add3A {strides = array<i32>} : memref<64x256xf32, #tpu.memory_space<vmem>>, vector<64x256xf32>,
    } else {
    }
    return
  }
  func.func @transform_0(%arg0: i32) -> (i32, i32) {
    %c0_i32 = arith.constant 0 : i32
    %c0_i32_0 = arith.constant 0 : i32
    return %arg0, %c0_i32 : i32, i32
  }
  func.func @transform_1(%arg0: i32) -> (i32, i32, i32) {
    %c0_i32 = arith.constant 0 : i32
    %c0_i32_0 = arith.constant 0 : i32
    %c0_i32_1 = arith.constant 0 : i32
    return %arg0, %c0_i32, %c0_i32_0 : i32, i32, i32
  }
  func.func @transform_2(%arg0: i32) -> (i32, i32) {
    %c0_i32 = arith.constant 0 : i32
    %c0_i32_0 = arith.constant 0 : i32
    %c0_i32_1 = arith.constant 0 : i32
    return %c0_i32, %c0_i32_0 : i32, i32
  }
}

module attributes {stable_mosaic.version = 14 : i64} {
  func.func @_cls_body(%arg0: memref<64x256xf32, #tpu.memory_space<vmem>>, %arg1: memref<256x256xf32, #tpu.memory_space<vmem>>, %arg2: memref<1x256xf32, #tpu.memory_space<vmem>>, %arg3: memref<1x256xf32, #tpu.memory_space<vmem>>, %arg4: memref<1x256xf32, #tpu.memory_space<vmem>>, %arg5: memref<256x16xf32, #tpu.memory_space<vmem>>, %arg6: memref<1x16xf32, #tpu.memory_space<vmem>>, %arg7: memref<64x16xf32, #tpu.memory_space<vmem>>) attributes {dimension_semantics = [], scalar_prefetch = 0 : i64, scratch_operands = 0 : i64, tpu.core_type = #tpu.core_type<tc>} {
    %get3A = arith.constant 0 : index
    %get3A_0 = arith.constant 0 : index
    %get3A_1 = vector.load %arg0[%get3A, %get3A_0] : memref<64x256xf32, #tpu.memory_space<vmem>>, vector<64x256xf32>
    %get3A_2 = arith.constant 0 : index
    %get3A_3 = arith.constant 0 : index
    %get3A_4 = vector.load %arg1[%get3A_2, %get3A_3] : memref<256x256xf32, #tpu.memory_space<vmem>>, vector<256x256xf32>
    %dot_general3A = arith.constant dense<0.000000e+00> : vector<64x256xf32>
    %dot_general3A_5 = tpu.matmul %get3A_1, %get3A_4, %dot_general3A {dimension_numbers = #tpu.dot_dimension_numbers<[1], [0], [0], [1], [0, 0, 1, 1], [], []>, transpose_lhs_hint = false} : vector<64x256xf32>, vector<256x256xf32>, vector<64x256xf32> -> vector<64x256xf32>
    %get3A_6 = arith.constant 0 : index
    %get3A_7 = arith.constant 0 : index
    %get3A_8 = vector.load %arg2[%get3A_6, %get3A_7] : memref<1x256xf32, #tpu.memory_space<vmem>>, vector<1x256xf32>
    %add3A = vector.broadcast %get3A_8 : vector<1x256xf32> to vector<64x256xf32>
    %add3A_9 = arith.addf %dot_general3A_5, %add3A : vector<64x256xf32>
    %reduce_sum3A = arith.constant dense<0.000000e+00> : vector<256xf32>
    %reduce_sum3A_10 = vector.multi_reduction <add>, %add3A_9, %reduce_sum3A [0] : vector<64x256xf32> to vector<256xf32>
    %broadcast_in_dim3A = vector.shape_cast %reduce_sum3A_10 : vector<256xf32> to vector<1x256xf32>
    %div3A = arith.constant 6.400000e+01 : f32
    %div3A_11 = vector.broadcast %div3A : f32 to vector<1x256xf32>
    %div3A_12 = arith.divf %broadcast_in_dim3A, %div3A_11 : vector<1x256xf32>
    %sub3A = vector.broadcast %div3A_12 : vector<1x256xf32> to vector<64x256xf32>
    %sub3A_13 = arith.subf %add3A_9, %sub3A : vector<64x256xf32>
    %mul3A = arith.mulf %sub3A_13, %sub3A_13 : vector<64x256xf32>
    %reduce_sum3A_14 = arith.constant dense<0.000000e+00> : vector<256xf32>
    %reduce_sum3A_15 = vector.multi_reduction <add>, %mul3A, %reduce_sum3A_14 [0] : vector<64x256xf32> to vector<256xf32>
    %broadcast_in_dim3A_16 = vector.shape_cast %reduce_sum3A_15 : vector<256xf32> to vector<1x256xf32>
    %div3A_17 = arith.constant 6.400000e+01 : f32
    %div3A_18 = vector.broadcast %div3A_17 : f32 to vector<1x256xf32>
    %div3A_19 = arith.divf %broadcast_in_dim3A_16, %div3A_18 : vector<1x256xf32>
    %sub3A_20 = vector.broadcast %div3A_12 : vector<1x256xf32> to vector<64x256xf32>
    %sub3A_21 = arith.subf %add3A_9, %sub3A_20 : vector<64x256xf32>
    %add3A_22 = arith.constant 9.99999974E-6 : f32
    %add3A_23 = vector.broadcast %add3A_22 : f32 to vector<1x256xf32>
    %add3A_24 = arith.addf %div3A_19, %add3A_23 : vector<1x256xf32>
    %sqrt3A = math.sqrt %add3A_24 : vector<1x256xf32>
    %div3A_25 = vector.broadcast %sqrt3A : vector<1x256xf32> to vector<64x256xf32>
    %div3A_26 = arith.divf %sub3A_21, %div3A_25 : vector<64x256xf32>
    %get3A_27 = arith.constant 0 : index
    %get3A_28 = arith.constant 0 : index
    %get3A_29 = vector.load %arg3[%get3A_27, %get3A_28] : memref<1x256xf32, #tpu.memory_space<vmem>>, vector<1x256xf32>
    %mul3A_30 = vector.broadcast %get3A_29 : vector<1x256xf32> to vector<64x256xf32>
    %mul3A_31 = arith.mulf %div3A_26, %mul3A_30 : vector<64x256xf32>
    %get3A_32 = arith.constant 0 : index
    %get3A_33 = arith.constant 0 : index
    %get3A_34 = vector.load %arg4[%get3A_32, %get3A_33] : memref<1x256xf32, #tpu.memory_space<vmem>>, vector<1x256xf32>
    %add3A_35 = vector.broadcast %get3A_34 : vector<1x256xf32> to vector<64x256xf32>
    %add3A_36 = arith.addf %mul3A_31, %add3A_35 : vector<64x256xf32>
    %max3A = arith.constant 0.000000e+00 : f32
    %max3A_37 = vector.broadcast %max3A : f32 to vector<64x256xf32>
    %max3A_38 = arith.maximumf %add3A_36, %max3A_37 : vector<64x256xf32>
    %get3A_39 = arith.constant 0 : index
    %get3A_40 = arith.constant 0 : index
    %get3A_41 = vector.load %arg5[%get3A_39, %get3A_40] : memref<256x16xf32, #tpu.memory_space<vmem>>, vector<256x16xf32>
    %dot_general3A_42 = arith.constant dense<0.000000e+00> : vector<64x16xf32>
    %dot_general3A_43 = tpu.matmul %max3A_38, %get3A_41, %dot_general3A_42 {dimension_numbers = #tpu.dot_dimension_numbers<[1], [0], [0], [1], [0, 0, 1, 1], [], []>, transpose_lhs_hint = false} : vector<64x256xf32>, vector<256x16xf32>, vector<64x16xf32> -> vector<64x16xf32>
    %get3A_44 = arith.constant 0 : index
    %get3A_45 = arith.constant 0 : index
    %get3A_46 = vector.load %arg6[%get3A_44, %get3A_45] : memref<1x16xf32, #tpu.memory_space<vmem>>, vector<1x16xf32>
    %add3A_47 = vector.broadcast %get3A_46 : vector<1x16xf32> to vector<64x16xf32>
    %add3A_48 = arith.addf %dot_general3A_43, %add3A_47 : vector<64x16xf32>
    %swap3A = arith.constant 0 : index
    %swap3A_49 = arith.constant 0 : index
    %swap3A_50 = vector.load %arg7[%swap3A, %swap3A_49] : memref<64x16xf32, #tpu.memory_space<vmem>>, vector<64x16xf32>
    tpu.vector_store %arg7[%swap3A, %swap3A_49], %add3A_48 {strides = array<i32>} : memref<64x16xf32, #tpu.memory_space<vmem>>, vector<64x16xf32>,
    return
  }
}

</mosaic_0001>

<sc_bundles>
// kernel: kernel.16.cloned.1.call-start
scs
__scs_entry_jumppad:
0x0: {  	(pc) =	sbr.rel $0x88, $3  }
0x1: {  	(tag) =	ssettag $0x0;
	lr =	simm.s32 $0x1  }
0x2: {  	[smem:$0x3F7A] =	sst lr;
	_ =	strace $0xD0000000  }
0x3: {  	_ = 	snop  }
0x4: {  	_ = 	snop  }
0x5: {  	_ = 	snop  }
0x6: {  	_ = 	snop  }
0x7: {  	_ = 	snop  }
__scs_overlays_trampoline_lowered:
0x8: {  	[smem:$0x3F89] =	sst s0  }
0x9: {  	[smem:$0x3F8A] =	sst s1  }
0xa: {  	[smem:$0x3F8B] =	sst s2  }
0xb: {  	[smem:$0x3F8C] =	sst s3  }
0xc: {  	[smem:$0x3F8D] =	sst s4  }
0xd: {  	[smem:$0x3F8E] =	sst s5  }
0xe: {  	[smem:$0x3F8F] =	sst s6  }
0xf: {  	[smem:$0x3F90] =	sst s7  }
0x10: {  	[smem:$0x3F91] =	sst s8  }
0x11: {  	[smem:$0x3F92] =	sst s9;
	s0 =	simm.s32 @!p0 $0x0  }
0x12: {  	s1 =	sld [smem:$0x3F78];
	s0 =	simm.s32 @p0 $0x1  }
0x13: {  	[smem:$0x3F93] =	sst s0;
	s0 =	simm.s32 @!p1 $0x0  }
0x14: {  	s2 =	sld [smem:$0x3F77];
	s0 =	simm.s32 @p1 $0x1  }
0x15: {  	[smem:$0x3F94] =	sst s0;
	s0 =	simm.s32 @!p2 $0x0  }
0x16: {  	s3 =	sld [smem:$0x3FDB];
	s0 =	simm.s32 @p2 $0x1  }
0x17: {  	s4 =	simm.s32 $0x1BF5;
	[smem:$0x3F96] =	sst s0  }
0x18: {  	s0 =	sld [smem:$0x3F79];
	_ =	swait.ge [sflag:s4], $0x0  }
0x19: {  	s7 =	sld [smem:$0x3F7A]  }
0x1a: {  	s8 =	sadd.s32 $0xFFFFE003, lr  }
0x1b: {  	s9 =	sadd.s32 $0xFFFFFEF7, lr;
	s5 =	simm.s32 $0xFFFFFFFF;
	p2 =	slt.u32 s8, $0xFFFFF086  }
0x1c: {  	p1 =	slt.u32 s9, $0xF7A;
	s5 =	simm.s32 @!p2 $0x0  }
0x1d: {  	s5 =	simm.s32 @p1 $0x1;
	p0 =	seq.s32 s7, s2  }
0x1e: {  	s7 =	smul.u32 @!p0 $0xF7A, s2;
	p2 =	seq.s32 @!p0 s5, $0x0  }
0x1f: {  	s9 =	smul.u32 $0xF7A, s1;
	s8 =	simm.s32 @!p0 $0x1BF5;
	p2 =	por !p2, p0  }
0x20: {  	[sflag:s8] =	ssyncset.s32 @!p0 $0xFFFFF086;
	s6 =	sadd.s32 @!p0 s3, s7;
	s7 =	simm.s32 @!p0 $0x108  }
0x21: {  	s3 =	sadd.s32 s3, s9;
	s6 =	sadd.s32 @!p0 $0x88, s6;
	s7 =	simm.s32 @p2 $0x1082  }
0x22: {  	[simem:s7], [sflag:s8] =	dma.local @!p0 [hbm:s6], $0xF7A  }
0x23: {  	s9 =	sor.u32 $0xD0000000, s2;
	s6 =	simm.s32 $0x108;
	_ =	swait.ge @!p0 [sflag:s8], $0x0  }
0x24: {  	s3 =	sadd.s32 $0x88, s3;
	s6 =	simm.s32 @!p1 $0x1082;
	[sflag:s4] =	ssyncset.s32 $0xFFFFF086  }
0x25: {  	[simem:s6], [sflag:s4] =	dma.local [hbm:s3], $0xF7A  }
0x26: {  	[smem:$0x3F7A] =	sst s1;
	(tag) =	ssettag s2;
	_ =	strace s9  }
0x27: {  	s1 =	sld [smem:$0x3F8A]  }
0x28: {  	s2 =	sld [smem:$0x3F8B]  }
0x29: {  	s4 =	sld [smem:$0x3F8D]  }
0x2a: {  	p0 =	seq.s32 s5, $0x0;
	s5 =	sld [smem:$0x3F8E]  }
0x2b: {  	s6 =	sld [smem:$0x3F8F]  }
0x2c: {  	s7 =	sld [smem:$0x3F90]  }
0x2d: {  	s3 =	simm.s32 $0x108;
	s8 =	sld [smem:$0x3F91]  }
0x2e: {  	s3 =	simm.s32 @!p0 $0x1082;
	s9 =	sld [smem:$0x3F92]  }
0x2f: {  	lr =	sadd.s32 s0, s3;
	s0 =	sld [smem:$0x3F89]  }
0x30: {  	s3 =	sld [smem:$0x3F8C]  }
0x31: {  	[smem:$0x3F95] =	sst s10  }
0x32: {  	s10 =	sld [smem:$0x3F93];
	_ =	sdelay $0x3  }
0x33: {  	p0 =	seq.s32 s10, $0x1;
	s10 =	sld [smem:$0x3F95];
	_ =	sdelay $0x3  }
0x34: {  	[smem:$0x3F95] =	sst s10  }
0x35: {  	s10 =	sld [smem:$0x3F94];
	_ =	sdelay $0x3  }
0x36: {  	p1 =	seq.s32 s10, $0x1;
	s10 =	sld [smem:$0x3F95];
	_ =	sdelay $0x3  }
0x37: {  	[smem:$0x3F95] =	sst s10  }
0x38: {  	s10 =	sld [smem:$0x3F96]  }
0x39: {  	_ = 	snop;
	(pc) =	sbr.ind lr, $3  }
0x3a: {  	_ = 	snop  }
0x3b: {  	_ = 	snop  }
0x3c: {  	p2 =	seq.s32 s10, $0x1;
	s10 =	sld [smem:$0x3F95]  }
0x3d: {  	_ =	shalt  }
0x3e: {  	_ =	shalt  }
0x3f: {  	_ =	shalt  }
0x40: {  	_ =	shalt  }
0x41: {  	_ =	shalt  }
0x42: {  	_ =	shalt  }
0x43: {  	_ =	shalt  }
0x44: {  	_ =	shalt  }
0x45: {  	_ =	shalt  }
0x46: {  	_ =	shalt  }
0x47: {  	_ =	shalt  }
0x48: {  	_ =	shalt  }
0x49: {  	_ =	shalt  }
0x4a: {  	_ =	shalt  }
0x4b: {  	_ =	shalt  }
0x4c: {  	_ =	shalt  }
0x4d: {  	_ =	shalt  }
0x4e: {  	_ =	shalt  }
0x4f: {  	_ =	shalt  }
0x50: {  	_ =	shalt  }
0x51: {  	_ =	shalt  }
0x52: {  	_ =	shalt  }
0x53: {  	_ =	shalt  }
0x54: {  	_ =	shalt  }
0x55: {  	_ =	shalt  }
0x56: {  	_ =	shalt  }
0x57: {  	_ =	shalt  }
0x58: {  	_ =	shalt  }
0x59: {  	_ =	shalt  }
0x5a: {  	_ =	shalt  }
0x5b: {  	_ =	shalt  }
0x5c: {  	_ =	shalt  }
0x5d: {  	_ =	shalt  }
0x5e: {  	_ =	shalt  }
0x5f: {  	_ =	shalt  }
0x60: {  	_ =	shalt  }
0x61: {  	_ =	shalt  }
0x62: {  	_ =	shalt  }
0x63: {  	_ =	shalt  }
0x64: {  	_ =	shalt  }
0x65: {  	_ =	shalt  }
0x66: {  	_ =	shalt  }
0x67: {  	_ =	shalt  }
0x68: {  	_ =	shalt  }
0x69: {  	_ =	shalt  }
0x6a: {  	_ =	shalt  }
0x6b: {  	_ =	shalt  }
0x6c: {  	_ =	shalt  }
0x6d: {  	_ =	shalt  }
0x6e: {  	_ =	shalt  }
0x6f: {  	_ =	shalt  }
0x70: {  	_ =	shalt  }
0x71: {  	_ =	shalt  }
0x72: {  	_ =	shalt  }
0x73: {  	_ =	shalt  }
0x74: {  	_ =	shalt  }
0x75: {  	_ =	shalt  }
0x76: {  	_ =	shalt  }
0x77: {  	_ =	shalt  }
0x78: {  	_ =	shalt  }
0x79: {  	_ =	shalt  }
0x7a: {  	_ =	shalt  }
0x7b: {  	_ =	shalt  }
0x7c: {  	_ =	shalt  }
0x7d: {  	_ =	shalt  }
0x7e: {  	_ =	shalt  }
0x7f: {  	_ =	shalt  }
0x80: {  	_ =	shalt  }
0x81: {  	_ =	shalt  }
0x82: {  	_ =	shalt  }
0x83: {  	_ =	shalt  }
0x84: {  	_ =	shalt  }
0x85: {  	_ =	shalt  }
0x86: {  	_ =	shalt  }
0x87: {  	_ =	shalt  }
.Lfunc_end0:
.L_simem_size_0:
called_computation_lowered:
.L_overlay_start_0:
0x88: {  	s2 =	sld [smem:$0x3FD9]  }
0x89: {  	s3 =	sld [smem:$0x3FFE];
	_ =	sdelay $0x1  }
0x8a: {  	s1 =	srdreg.scid  }
0x8b: {  	s0 =	sand.u32 $0x1, s1  }
0x8c: {  	s16 =	sshll.u32 s0, $0xA;
	s2 =	sadd.s32 s3, s2  }
0x8d: {  	s2 =	sadd.s32 s2, s16  }
0x8e: {  	[smem:$0x3FA1] =	sst s2  }
0x8f: {  	_ = 	snop  }
0x90: {  	(tm) =	ssettm $0x1  }
0x91: {  	s17 =	sld [smem:$0x3FFB];
	_ =	sdelay $0x3  }
0x92: {  	_ =	strace s17  }
0x93: {  	s2 =	sld [smem:$0x3FFC];
	_ =	sdelay $0x3  }
0x94: {  	_ =	strace s2  }
0x95: {  	s2 =	sld [smem:$0x3FFD];
	_ =	sdelay $0x3  }
0x96: {  	_ =	strace s2  }
0x97: {  	_ =	strace $0x8FFFFFFF  }
0x98: {  	s18 =	sld [smem:$0x3FDB];
	_ =	sdelay $0x1  }
0x99: {  	s19 =	simm.s32 $_scs_section_size  }
0x9a: {  	s4 =	simm.s32 $_size__tile_overlayer_lowered;
	s5 =	simm.s32 $_tile_overlayer_lowered  }
0x9b: {  	s22 =	simm.s32 $0x1BFF;
	s21 =	sshll.u32 s5, $0x1;
	s2 =	sadd.s32 s19, s18  }
0x9c: {  	s6 =	simm.s32 $0x0;
	s20 =	sshll.u32 s4, $0x1;
	s4 =	sadd.s32 s21, s2  }
0x9d: {  	[timem:s6], [sflag:s22] =	dma.local [hbm:s4], s20  }
0x9e: {  	_ =	swait.ge [sflag:s22], s20  }
0x9f: {  	s3 =	ssub.s32 $0x0, s20;
	[sflag:s22] =	ssyncset.done $0x0  }
0xa0: {  	[sflag:s22] =	ssyncadd.s32 s3;
	_ =	sdelay $0x1  }
0xa1: {  	s23 =	simm.s32 $0x1B8B  }
0xa2: {  	_ =	swait.ge [sflag:s23], $0x1  }
0xa3: {  	[sflag:s23] =	ssyncset.done $0x0  }
0xa4: {  	s25 =	simm.s32 $0x1B8E;
	s24 =	sld [smem:$0x3FFE];
	[sflag:s23] =	ssyncadd.s32 $0xFFFFFFFF  }
0xa5: {  	s26 =	simm.s32 $execute0_lowered;
	[smem:$0x3FD2] =	sst s25  }
0xa6: {  	s4 =	sshll.u32 s26, $0x1;
	_ =	strace $0x80000046;
	[dreg:$0x1] =	wrdreg $0xFFFFFFFF  }
0xa7: {  	s28 =	simm.s32 $_size_execute0_lowered;
	s2 =	sadd.s32 s2, s4;
	[dreg:$0x0] =	wrdreg $0x0  }
0xa8: {  	s4 =	sshll.u32 s28, $0x1;
	[dreg:$0x2] =	wrdreg s2  }
0xa9: {  	[dreg:$0x3] =	wrdreg s4  }
0xaa: {  	[dreg:$0x4] =	wrdreg $0xC0  }
0xab: {  	_ =	task [dreg:s6], $0x5FFFF  }
0xac: {  	[dreg:$0x1] =	wrdreg $0xFFFFFFFF  }
0xad: {  	[dreg:$0x0] =	wrdreg $0x60  }
0xae: {  	[dreg:$0x2] =	wrdreg s24  }
0xaf: {  	[dreg:$0x3] =	wrdreg $0xA8000  }
0xb0: {  	[dreg:$0x4] =	wrdreg $0x9  }
0xb1: {  	_ =	task.clear_ibuf [dreg:s6], $0x5FFFF;
	_ =	strace $0x90000046  }
0xb2: {  	s29 =	simm.s32 $0x9;
	_ =	strace $0x80000048  }
0xb3: {  	_ =	swait.ge [sflag:s29], $0x1  }
0xb4: {  	[sflag:s29] =	ssyncadd.s32 $0xFFFFFFFF  }
0xb5: {  	_ =	strace $0x90000048  }
0xb6: {  	_ =	sfence  }
0xb7: {  	s30 =	sld [smem:$0x0];
	_ =	sdelay $0x2  }
0xb8: {  	s31 =	sshll.u32 s1, $0xD;
	s1 =	sshrl.u32 s1, $0x2  }
0xb9: {  	s3 =	sand.u32 $0x4000, s31;
	s1 =	sadd.s32 s1, s30  }
0xba: {  	s0 =	sor.u32 s3, s0;
	s1 =	sshll.u32 s1, $0x11  }
0xbb: {  	s0 =	sor.u32 s1, s0  }
0xbc: {  	s0 =	sadd.s32 $0x8F2B, s0  }
0xbd: {  	[sflag:s0] =	ssyncadd.remote.s32 $0x1  }
0xbe: {  	_ =	sfence.sel $0xFFFF  }
0xbf: {  	[dreg:$0x0] =	wrdreg $0xFFFFFFFF;
	(pc) =	sbr.abs _section_cstart, $3  }
0xc0: {  	[dreg:$0x1] =	wrdreg $0xFFFFFFFF  }
0xc1: {  	_ =	task.clear_ibuf [dreg:s6], $0x2FFFF;
	_ =	strace $0x9FFFFFFF  }
0xc2: {  	(tm) =	ssettm $0x7FFFFFFF  }
0xc3: {  	_ =	shalt  }
tec
execute0_lowered:
.L_overlay_start_1:
0x0: {  	(tag) =	ssettag $0x1  }
0x1: {  	s12 =	rddreg [dreg:$0x0]  }
0x2: {  	s1 =	rddreg [dreg:$0x1]  }
0x3: {  	s0 =	rddreg [dreg:$0x2];
	s2 =	simm.s32 $0x0;
	s3 =	stileid.u32  }
0x4: {  	s6 =	srdreg.scid;
	s15 =	simm.s32 $0x4000;
	s18 =	simm.s32 $0x50  }
0x5: {  	s19 =	simm.s32 $0x8000;
	s20 =	simm.s32 $0x1;
	s23 =	simm.s32 $0x0  }
0x6: {  	[smem:$0x7FF] =	sst s2;
	s4 =	sadd.s32 $0x2C600, s12;
	s5 =	sadd.s32 $0x5400, s12  }
0x7: {  	s7 =	sshll.u32 s3, $0xB;
	s8 =	smul.u32 $0x2800, s3;
	s14 =	sand.u32 $0x1, s6  }
0x8: {  	s10 =	smul.u32 $0x50000, s3;
	s6 =	sadd.s32 $0x63800, s12;
	s21 =	sadd.s32 $0x12C000, s1  }
0x9: {  	s16 =	sshll.u32 s3, $0x6;
	p1 =	seq.s32 s3, $0xF;
	_ =	strace $0x80000047  }
0xa: {  	s9 =	sadd.s32 s7, s12;
	s30 =	ssub.s32 $0x2, s14;
	p0 =	sne.s32 s14, $0x0  }
0xb: {  	s14 =	simm.s32 $0x2;
	s16 =	sor.u32 $0x1C02, s16;
	s21 =	sshrl.u32 @p1 s21, $0x3  }
.Ltmp0:
0xc: {  	s11 =	sadd.s32 s8, s12;
	s31 =	sshrl.u32 s30, $0x1;
	(pc) =	sbr.rel .LBB2_1-.Ltmp0, $4  }
0xd: {  	s7 =	sadd.s32 $0x53800, s9;
	s10 =	sshrl.u32 s10, $0x2;
	s8 =	sadd.s32 $0x5B800, s9  }
0xe: {  	s13 =	ssub.s32 s30, s31;
	s22 =	sadd.s32 s10, s1;
	s9 =	sadd.s32 $0x8D200, s11  }
0xf: {  	s10 =	sadd.s32 $0xB2A00, s12;
	s11 =	sadd.s32 $0x66000, s11;
	s12 =	sadd.s32 $0x8B800, s12  }
0x10: {  	s13 =	smax.u32 s13, $0x1;
	s17 =	sshrl.u32 s22, $0x3;
	s22 =	sshrl.u32 @!p1 s22, $0x3  }
.LBB2_7:
0x11: {  	s24 =	sshra.s32 s24, $0x2;
	[sflag:s14] =	ssyncadd.s32 $0xFFFFD800  }
0x12: {  	[tilespmem:s19], [sflag:$0x1] =	stream.indirect.gather [hbm4b:s5+s18], $0x80, s24, s18, $0xb8;
	[tilespmem:$0x1E800] =	vst v63  }
0x13: {  	_ =	swait.ge [sflag:s20], $0x2800  }
0x14: {  	[sflag:s20] =	ssyncset.done $0x0  }
0x15: {  	s24 =	sadd.s32 $0x4000, s24;
	[sflag:s20] =	ssyncadd.s32 $0xFFFFD800  }
0x16: {  	[spmem:s1] =	stream.indirect.scatter.add.f32 [tilespmem:s19], [sflag:$0x2], $0x80, s24, s18, $0xb8;
	[tilespmem:$0x1E800] =	vst v63  }
0x17: {  	_ =	swait.ge [sflag:s14], $0x2800  }
0x18: {  	[sflag:s14] =	ssyncset.done $0x0  }
0x19: {  	[sflag:s14] =	ssyncadd.s32 $0xFFFFD800  }
0x1a: {  	s24 =	simm.s32 @p1 $0x2;
	[bflag:$0x0] =	sbarrier.arrive $0xFFFF  }
0x1b: {  	[hbm:s10], [sflag:s16] =	dma.local @p1 [spmem:s21], $0x1900  }
0x1c: {  	_ =	swait.ge @p1 [sflag:s24], $0x1900  }
0x1d: {  	[sflag:s24] =	ssyncset.done @p1 $0x0  }
0x1e: {  	[sflag:s24] =	ssyncadd.s32 @p1 $0xFFFFE700;
	s24 =	simm.s32 @!p1 $0x2  }
0x1f: {  	[hbm:s9], [sflag:s16] =	dma.local @!p1 [spmem:s22], $0x2800  }
0x20: {  	_ =	swait.ge @!p1 [sflag:s24], $0x2800  }
0x21: {  	[sflag:s24] =	ssyncset.done @!p1 $0x0  }
0x22: {  	[sflag:s24] =	ssyncadd.s32 @!p1 $0xFFFFD800  }
.LBB2_8:
0x23: {  	s23 =	sadd.s32 $0x1, s23  }
0x24: {  	p2 =	sne.s32 s23, s13  }
.Ltmp1:
0x25: {  	_ = 	snop;
	(pc) =	sbr.rel @!p2 .LBB2_9-.Ltmp1, $1  }
0x26: {  	_ =	sdelay $0x3  }
.LBB2_1:
0x27: {  	[tilespmem:s2], [sflag:$0x2] =	stream.linear.gather [hbm4b:s7+s2], $0x3E80, $0x38;
	[tilespmem:$0x1E800] =	vst v63  }
0x28: {  	_ =	swait.ge [sflag:s14], $0x3E80  }
0x29: {  	[sflag:s14] =	ssyncset.done $0x0  }
0x2a: {  	[sflag:s14] =	ssyncadd.s32 $0xFFFFC180  }
0x2b: {  	[tilespmem:s15], [sflag:$0x2] =	stream.linear.gather [hbm4b:s8+s2], $0x3E80, $0x38;
	[tilespmem:$0x1E800] =	vst v63  }
0x2c: {  	_ =	swait.ge [sflag:s14], $0x3E80  }
0x2d: {  	[sflag:s14] =	ssyncset.done $0x0  }
0x2e: {  	[sflag:s14] =	ssyncadd.s32 $0xFFFFC180  }
0x2f: {  	[spmem:s17], [sflag:s16] =	dma.local [hbm:s6], $0x2800  }
.Ltmp2:
0x30: {  	_ =	swait.ge [sflag:s14], $0x2800;
	(pc) =	sbr.rel @p0 .LBB2_5-.Ltmp2, $4  }
0x31: {  	[sflag:s14] =	ssyncset.done $0x0  }
0x32: {  	[sflag:s14] =	ssyncadd.s32 $0xFFFFD800  }
0x33: {  	[bflag:$0x0] =	sbarrier.arrive $0xFFFF  }
0x34: {  	s24 =	simm.s32 $0x0  }
0x35: {  	[tilespmem:s19], [sflag:$0x1] =	stream.indirect.gather [hbm4b:s4+s18], $0x80, s24, s18, $0xb8;
	[tilespmem:$0x1E800] =	vst v63  }
0x36: {  	_ =	swait.ge [sflag:s20], $0x2800  }
0x37: {  	[sflag:s20] =	ssyncset.done $0x0  }
0x38: {  	s31 =	simm.s32 $0x4000;
	[sflag:s20] =	ssyncadd.s32 $0xFFFFD800  }
0x39: {  	[spmem:s1] =	stream.indirect.scatter.add.f32 [tilespmem:s19], [sflag:$0x2], $0x80, s31, s18, $0xb8;
	[tilespmem:$0x1E800] =	vst v63  }
0x3a: {  	_ =	swait.ge [sflag:s14], $0x2800  }
0x3b: {  	s24 =	simm.s32 $0x200;
	s25 =	simm.s32 $0x400;
	[sflag:s14] =	ssyncset.done $0x0  }
.LBB2_3:
0x3c: {  	s26 =	sshra.s32 s24, $0x2  }
0x3d: {  	[sflag:s14] =	ssyncadd.s32 $0xFFFFD800;
	s24 =	smov.u32 s25;
	s28 =	sadd.s32 $0x200, s25  }
0x3e: {  	[tilespmem:s19], [sflag:$0x1] =	stream.indirect.gather [hbm4b:s4+s18], $0x80, s26, s18, $0xb8;
	[tilespmem:$0x1E800] =	vst v63  }
0x3f: {  	p2 =	sne.s32 s25, $0xF800;
	_ =	swait.ge [sflag:s20], $0x2800  }
.Ltmp3:
0x40: {  	[sflag:s20] =	ssyncset.done $0x0;
	(pc) =	sbr.rel @p2 .LBB2_3-.Ltmp3, $4  }
0x41: {  	s25 =	sadd.s32 $0x4000, s26;
	[sflag:s20] =	ssyncadd.s32 $0xFFFFD800  }
0x42: {  	[spmem:s1] =	stream.indirect.scatter.add.f32 [tilespmem:s19], [sflag:$0x2], $0x80, s25, s18, $0xb8;
	[tilespmem:$0x1E800] =	vst v63  }
0x43: {  	_ =	swait.ge [sflag:s14], $0x2800  }
0x44: {  	s25 =	smov.u32 s28;
	[sflag:s14] =	ssyncset.done $0x0  }
0x45: {  	s24 =	sshra.s32 s24, $0x2;
	[sflag:s14] =	ssyncadd.s32 $0xFFFFD800  }
0x46: {  	[tilespmem:s19], [sflag:$0x1] =	stream.indirect.gather [hbm4b:s4+s18], $0x80, s24, s18, $0xb8;
	[tilespmem:$0x1E800] =	vst v63  }
0x47: {  	_ =	swait.ge [sflag:s20], $0x2800  }
0x48: {  	[sflag:s20] =	ssyncset.done $0x0  }
0x49: {  	s24 =	sadd.s32 $0x4000, s24;
	[sflag:s20] =	ssyncadd.s32 $0xFFFFD800  }
0x4a: {  	[spmem:s1] =	stream.indirect.scatter.add.f32 [tilespmem:s19], [sflag:$0x2], $0x80, s24, s18, $0xb8;
	[tilespmem:$0x1E800] =	vst v63  }
0x4b: {  	_ =	swait.ge [sflag:s14], $0x2800  }
0x4c: {  	[sflag:s14] =	ssyncset.done $0x0  }
0x4d: {  	[sflag:s14] =	ssyncadd.s32 $0xFFFFD800  }
0x4e: {  	s24 =	simm.s32 @p1 $0x2;
	[bflag:$0x0] =	sbarrier.arrive $0xFFFF  }
0x4f: {  	[hbm:s12], [sflag:s16] =	dma.local @p1 [spmem:s21], $0x1900  }
0x50: {  	_ =	swait.ge @p1 [sflag:s24], $0x1900  }
0x51: {  	[sflag:s24] =	ssyncset.done @p1 $0x0  }
.Ltmp4:
0x52: {  	[sflag:s24] =	ssyncadd.s32 @p1 $0xFFFFE700;
	s24 =	simm.s32 @!p1 $0x2;
	(pc) =	sbr.rel .LBB2_8-.Ltmp4, $4  }
0x53: {  	[hbm:s11], [sflag:s16] =	dma.local @!p1 [spmem:s22], $0x2800  }
0x54: {  	_ =	swait.ge @!p1 [sflag:s24], $0x2800  }
0x55: {  	[sflag:s24] =	ssyncset.done @!p1 $0x0  }
0x56: {  	[sflag:s24] =	ssyncadd.s32 @!p1 $0xFFFFD800  }
.LBB2_5:
0x57: {  	[tilespmem:s19], [sflag:$0x1] =	stream.indirect.gather [hbm4b:s5+s18], $0x80, s24, s18, $0xb8;
	[tilespmem:$0x1E800] =	vst v63  }
0x58: {  	_ =	swait.ge [sflag:s20], $0x2800  }
0x59: {  	[sflag:s20] =	ssyncset.done $0x0  }
0x5a: {  	s31 =	simm.s32 $0x4000;
	[sflag:s20] =	ssyncadd.s32 $0xFFFFD800  }
0x5b: {  	[spmem:s1] =	stream.indirect.scatter.add.f32 [tilespmem:s19], [sflag:$0x2], $0x80, s31, s18, $0xb8;
	[tilespmem:$0x1E800] =	vst v63  }
0x5c: {  	_ =	swait.ge [sflag:s14], $0x2800  }
0x5d: {  	s24 =	simm.s32 $0x200;
	s25 =	simm.s32 $0x400;
	[sflag:s14] =	ssyncset.done $0x0  }
.LBB2_6:
0x5e: {  	s26 =	sshra.s32 s24, $0x2  }
0x5f: {  	[sflag:s14] =	ssyncadd.s32 $0xFFFFD800;
	s24 =	smov.u32 s25;
	s28 =	sadd.s32 $0x200, s25  }
0x60: {  	[tilespmem:s19], [sflag:$0x1] =	stream.indirect.gather [hbm4b:s5+s18], $0x80, s26, s18, $0xb8;
	[tilespmem:$0x1E800] =	vst v63  }
0x61: {  	p2 =	sne.s32 s25, $0xF800;
	_ =	swait.ge [sflag:s20], $0x2800  }
.Ltmp5:
0x62: {  	[sflag:s20] =	ssyncset.done $0x0;
	(pc) =	sbr.rel @p2 .LBB2_6-.Ltmp5, $4  }
0x63: {  	s25 =	sadd.s32 $0x4000, s26;
	[sflag:s20] =	ssyncadd.s32 $0xFFFFD800  }
0x64: {  	[spmem:s1] =	stream.indirect.scatter.add.f32 [tilespmem:s19], [sflag:$0x2], $0x80, s25, s18, $0xb8;
	[tilespmem:$0x1E800] =	vst v63  }
0x65: {  	_ =	swait.ge [sflag:s14], $0x2800  }
0x66: {  	s25 =	smov.u32 s28;
	[sflag:s14] =	ssyncset.done $0x0  }
.Ltmp6:
0x67: {  	_ = 	snop;
	(pc) =	sbr.rel .LBB2_7-.Ltmp6, $1  }
0x68: {  	_ =	sdelay $0x3  }
.LBB2_9:
0x69: {  	_ =	sfence.sel $0x180000  }
0x6a: {  	[bflag:$0x0] =	sbarrier.arrive $0xFFFF  }
0x6b: {  	p0 =	sne.s32 s3, $0x0;
	_ =	strace $0x90000047  }
0x6c: {  	s0 =	sadd.s32 @!p0 $0x100000, s0;
	[bflag:$0x2] =	sbarrier.arrive $0xFFFF  }
0x6d: {  	[sflag:s0] =	ssyncadd.tile.s32 @!p0 $0x1;
	_ =	shalt  }
.Lfunc_end2:
_tile_overlayer_lowered:
.L_overlay_start_2:
0x6e: {  	(tag) =	ssettag $0x2  }
0x6f: {  	s0 =	rddreg [dreg:$0x0];
	s2 =	stileid.u32  }
0x70: {  	s1 =	rddreg [dreg:$0x1];
	p0 =	sne.s32 s2, $0x0  }
0x71: {  	s3 =	rddreg [dreg:$0x2];
	[bflag:$0x3] =	sbarrier.arrive $0xFFFF;
	s2 =	simm.s32 @!p0 $0x1C02  }
0x72: {  	[timem:s3], [sflag:s2] =	dma.local @!p0 [hbm:s0], s1  }
0x73: {  	s0 =	simm.s32 @!p0 $0x2  }
0x74: {  	_ =	swait.ge @!p0 [sflag:s0], s1  }
0x75: {  	s1 =	ssub.s32 @!p0 $0x0, s1;
	[sflag:s0] =	ssyncset.done @!p0 $0x0  }
0x76: {  	[sflag:s0] =	ssyncadd.s32 @!p0 s1  }
0x77: {  	[bflag:$0x3] =	sbarrier.arrive $0xFFFF  }
0x78: {  	_ =	shalt  }

// kernel: kernel.19.cloned.1.call-start
scs
__scs_entry_jumppad:
0x0: {  	(pc) =	sbr.rel $0x88, $3  }
0x1: {  	(tag) =	ssettag $0x0;
	lr =	simm.s32 $0x1  }
0x2: {  	[smem:$0x3F7A] =	sst lr;
	_ =	strace $0xD0000000  }
0x3: {  	_ = 	snop  }
0x4: {  	_ = 	snop  }
0x5: {  	_ = 	snop  }
0x6: {  	_ = 	snop  }
0x7: {  	_ = 	snop  }
__scs_overlays_trampoline_lowered:
0x8: {  	[smem:$0x3F89] =	sst s0  }
0x9: {  	[smem:$0x3F8A] =	sst s1  }
0xa: {  	[smem:$0x3F8B] =	sst s2  }
0xb: {  	[smem:$0x3F8C] =	sst s3  }
0xc: {  	[smem:$0x3F8D] =	sst s4  }
0xd: {  	[smem:$0x3F8E] =	sst s5  }
0xe: {  	[smem:$0x3F8F] =	sst s6  }
0xf: {  	[smem:$0x3F90] =	sst s7  }
0x10: {  	[smem:$0x3F91] =	sst s8  }
0x11: {  	[smem:$0x3F92] =	sst s9;
	s0 =	simm.s32 @!p0 $0x0  }
0x12: {  	s1 =	sld [smem:$0x3F78];
	s0 =	simm.s32 @p0 $0x1  }
0x13: {  	[smem:$0x3F93] =	sst s0;
	s0 =	simm.s32 @!p1 $0x0  }
0x14: {  	s2 =	sld [smem:$0x3F77];
	s0 =	simm.s32 @p1 $0x1  }
0x15: {  	[smem:$0x3F94] =	sst s0;
	s0 =	simm.s32 @!p2 $0x0  }
0x16: {  	s3 =	sld [smem:$0x3FDB];
	s0 =	simm.s32 @p2 $0x1  }
0x17: {  	s4 =	simm.s32 $0x1BF5;
	[smem:$0x3F96] =	sst s0  }
0x18: {  	s0 =	sld [smem:$0x3F79];
	_ =	swait.ge [sflag:s4], $0x0  }
0x19: {  	s7 =	sld [smem:$0x3F7A]  }
0x1a: {  	s8 =	sadd.s32 $0xFFFFE003, lr  }
0x1b: {  	s9 =	sadd.s32 $0xFFFFFEF7, lr;
	s5 =	simm.s32 $0xFFFFFFFF;
	p2 =	slt.u32 s8, $0xFFFFF086  }
0x1c: {  	p1 =	slt.u32 s9, $0xF7A;
	s5 =	simm.s32 @!p2 $0x0  }
0x1d: {  	s5 =	simm.s32 @p1 $0x1;
	p0 =	seq.s32 s7, s2  }
0x1e: {  	s7 =	smul.u32 @!p0 $0xF7A, s2;
	p2 =	seq.s32 @!p0 s5, $0x0  }
0x1f: {  	s9 =	smul.u32 $0xF7A, s1;
	s8 =	simm.s32 @!p0 $0x1BF5;
	p2 =	por !p2, p0  }
0x20: {  	[sflag:s8] =	ssyncset.s32 @!p0 $0xFFFFF086;
	s6 =	sadd.s32 @!p0 s3, s7;
	s7 =	simm.s32 @!p0 $0x108  }
0x21: {  	s3 =	sadd.s32 s3, s9;
	s6 =	sadd.s32 @!p0 $0x88, s6;
	s7 =	simm.s32 @p2 $0x1082  }
0x22: {  	[simem:s7], [sflag:s8] =	dma.local @!p0 [hbm:s6], $0xF7A  }
0x23: {  	s9 =	sor.u32 $0xD0000000, s2;
	s6 =	simm.s32 $0x108;
	_ =	swait.ge @!p0 [sflag:s8], $0x0  }
0x24: {  	s3 =	sadd.s32 $0x88, s3;
	s6 =	simm.s32 @!p1 $0x1082;
	[sflag:s4] =	ssyncset.s32 $0xFFFFF086  }
0x25: {  	[simem:s6], [sflag:s4] =	dma.local [hbm:s3], $0xF7A  }
0x26: {  	[smem:$0x3F7A] =	sst s1;
	(tag) =	ssettag s2;
	_ =	strace s9  }
0x27: {  	s1 =	sld [smem:$0x3F8A]  }
0x28: {  	s2 =	sld [smem:$0x3F8B]  }
0x29: {  	s4 =	sld [smem:$0x3F8D]  }
0x2a: {  	p0 =	seq.s32 s5, $0x0;
	s5 =	sld [smem:$0x3F8E]  }
0x2b: {  	s6 =	sld [smem:$0x3F8F]  }
0x2c: {  	s7 =	sld [smem:$0x3F90]  }
0x2d: {  	s3 =	simm.s32 $0x108;
	s8 =	sld [smem:$0x3F91]  }
0x2e: {  	s3 =	simm.s32 @!p0 $0x1082;
	s9 =	sld [smem:$0x3F92]  }
0x2f: {  	lr =	sadd.s32 s0, s3;
	s0 =	sld [smem:$0x3F89]  }
0x30: {  	s3 =	sld [smem:$0x3F8C]  }
0x31: {  	[smem:$0x3F95] =	sst s10  }
0x32: {  	s10 =	sld [smem:$0x3F93];
	_ =	sdelay $0x3  }
0x33: {  	p0 =	seq.s32 s10, $0x1;
	s10 =	sld [smem:$0x3F95];
	_ =	sdelay $0x3  }
0x34: {  	[smem:$0x3F95] =	sst s10  }
0x35: {  	s10 =	sld [smem:$0x3F94];
	_ =	sdelay $0x3  }
0x36: {  	p1 =	seq.s32 s10, $0x1;
	s10 =	sld [smem:$0x3F95];
	_ =	sdelay $0x3  }
0x37: {  	[smem:$0x3F95] =	sst s10  }
0x38: {  	s10 =	sld [smem:$0x3F96]  }
0x39: {  	_ = 	snop;
	(pc) =	sbr.ind lr, $3  }
0x3a: {  	_ = 	snop  }
0x3b: {  	_ = 	snop  }
0x3c: {  	p2 =	seq.s32 s10, $0x1;
	s10 =	sld [smem:$0x3F95]  }
0x3d: {  	_ =	shalt  }
0x3e: {  	_ =	shalt  }
0x3f: {  	_ =	shalt  }
0x40: {  	_ =	shalt  }
0x41: {  	_ =	shalt  }
0x42: {  	_ =	shalt  }
0x43: {  	_ =	shalt  }
0x44: {  	_ =	shalt  }
0x45: {  	_ =	shalt  }
0x46: {  	_ =	shalt  }
0x47: {  	_ =	shalt  }
0x48: {  	_ =	shalt  }
0x49: {  	_ =	shalt  }
0x4a: {  	_ =	shalt  }
0x4b: {  	_ =	shalt  }
0x4c: {  	_ =	shalt  }
0x4d: {  	_ =	shalt  }
0x4e: {  	_ =	shalt  }
0x4f: {  	_ =	shalt  }
0x50: {  	_ =	shalt  }
0x51: {  	_ =	shalt  }
0x52: {  	_ =	shalt  }
0x53: {  	_ =	shalt  }
0x54: {  	_ =	shalt  }
0x55: {  	_ =	shalt  }
0x56: {  	_ =	shalt  }
0x57: {  	_ =	shalt  }
0x58: {  	_ =	shalt  }
0x59: {  	_ =	shalt  }
0x5a: {  	_ =	shalt  }
0x5b: {  	_ =	shalt  }
0x5c: {  	_ =	shalt  }
0x5d: {  	_ =	shalt  }
0x5e: {  	_ =	shalt  }
0x5f: {  	_ =	shalt  }
0x60: {  	_ =	shalt  }
0x61: {  	_ =	shalt  }
0x62: {  	_ =	shalt  }
0x63: {  	_ =	shalt  }
0x64: {  	_ =	shalt  }
0x65: {  	_ =	shalt  }
0x66: {  	_ =	shalt  }
0x67: {  	_ =	shalt  }
0x68: {  	_ =	shalt  }
0x69: {  	_ =	shalt  }
0x6a: {  	_ =	shalt  }
0x6b: {  	_ =	shalt  }
0x6c: {  	_ =	shalt  }
0x6d: {  	_ =	shalt  }
0x6e: {  	_ =	shalt  }
0x6f: {  	_ =	shalt  }
0x70: {  	_ =	shalt  }
0x71: {  	_ =	shalt  }
0x72: {  	_ =	shalt  }
0x73: {  	_ =	shalt  }
0x74: {  	_ =	shalt  }
0x75: {  	_ =	shalt  }
0x76: {  	_ =	shalt  }
0x77: {  	_ =	shalt  }
0x78: {  	_ =	shalt  }
0x79: {  	_ =	shalt  }
0x7a: {  	_ =	shalt  }
0x7b: {  	_ =	shalt  }
0x7c: {  	_ =	shalt  }
0x7d: {  	_ =	shalt  }
0x7e: {  	_ =	shalt  }
0x7f: {  	_ =	shalt  }
0x80: {  	_ =	shalt  }
0x81: {  	_ =	shalt  }
0x82: {  	_ =	shalt  }
0x83: {  	_ =	shalt  }
0x84: {  	_ =	shalt  }
0x85: {  	_ =	shalt  }
0x86: {  	_ =	shalt  }
0x87: {  	_ =	shalt  }
.Lfunc_end0:
.L_simem_size_0:
called_computation.1_lowered:
.L_overlay_start_0:
0x88: {  	s2 =	sld [smem:$0x3FD9]  }
0x89: {  	s3 =	sld [smem:$0x3FFE];
	_ =	sdelay $0x1  }
0x8a: {  	s1 =	srdreg.scid  }
0x8b: {  	s0 =	sand.u32 $0x1, s1  }
0x8c: {  	s16 =	sshll.u32 s0, $0xA;
	s2 =	sadd.s32 s3, s2  }
0x8d: {  	s2 =	sadd.s32 s2, s16  }
0x8e: {  	[smem:$0x3FA1] =	sst s2  }
0x8f: {  	_ = 	snop  }
0x90: {  	(tm) =	ssettm $0x1  }
0x91: {  	s17 =	sld [smem:$0x3FFB];
	_ =	sdelay $0x3  }
0x92: {  	_ =	strace s17  }
0x93: {  	s2 =	sld [smem:$0x3FFC];
	_ =	sdelay $0x3  }
0x94: {  	_ =	strace s2  }
0x95: {  	s2 =	sld [smem:$0x3FFD];
	_ =	sdelay $0x3  }
0x96: {  	_ =	strace s2  }
0x97: {  	_ =	strace $0x8FFFFFFF  }
0x98: {  	s18 =	sld [smem:$0x3FDB];
	_ =	sdelay $0x1  }
0x99: {  	s19 =	simm.s32 $_scs_section_size  }
0x9a: {  	s4 =	simm.s32 $_size__tile_overlayer_lowered;
	s5 =	simm.s32 $_tile_overlayer_lowered  }
0x9b: {  	s22 =	simm.s32 $0x1BFF;
	s21 =	sshll.u32 s5, $0x1;
	s2 =	sadd.s32 s19, s18  }
0x9c: {  	s6 =	simm.s32 $0x0;
	s20 =	sshll.u32 s4, $0x1;
	s4 =	sadd.s32 s21, s2  }
0x9d: {  	[timem:s6], [sflag:s22] =	dma.local [hbm:s4], s20  }
0x9e: {  	_ =	swait.ge [sflag:s22], s20  }
0x9f: {  	s3 =	ssub.s32 $0x0, s20;
	[sflag:s22] =	ssyncset.done $0x0  }
0xa0: {  	[sflag:s22] =	ssyncadd.s32 s3;
	_ =	sdelay $0x1  }
0xa1: {  	s23 =	simm.s32 $0x1B8B  }
0xa2: {  	_ =	swait.ge [sflag:s23], $0x1  }
0xa3: {  	[sflag:s23] =	ssyncset.done $0x0  }
0xa4: {  	s25 =	simm.s32 $0x1B8E;
	s24 =	sld [smem:$0x3FFE];
	[sflag:s23] =	ssyncadd.s32 $0xFFFFFFFF  }
0xa5: {  	s26 =	simm.s32 $execute0_lowered;
	[smem:$0x3FD2] =	sst s25  }
0xa6: {  	s4 =	sshll.u32 s26, $0x1;
	_ =	strace $0x80000049;
	[dreg:$0x1] =	wrdreg $0xFFFFFFFF  }
0xa7: {  	s28 =	simm.s32 $_size_execute0_lowered;
	s2 =	sadd.s32 s2, s4;
	[dreg:$0x0] =	wrdreg $0x0  }
0xa8: {  	s4 =	sshll.u32 s28, $0x1;
	[dreg:$0x2] =	wrdreg s2  }
0xa9: {  	[dreg:$0x3] =	wrdreg s4  }
0xaa: {  	[dreg:$0x4] =	wrdreg $0xC0  }
0xab: {  	_ =	task [dreg:s6], $0x5FFFF  }
0xac: {  	[dreg:$0x1] =	wrdreg $0xFFFFFFFF  }
0xad: {  	[dreg:$0x0] =	wrdreg $0x60  }
0xae: {  	[dreg:$0x2] =	wrdreg s24  }
0xaf: {  	[dreg:$0x3] =	wrdreg $0xA8000  }
0xb0: {  	[dreg:$0x4] =	wrdreg $0x9  }
0xb1: {  	_ =	task.clear_ibuf [dreg:s6], $0x5FFFF;
	_ =	strace $0x90000049  }
0xb2: {  	s29 =	simm.s32 $0x9;
	_ =	strace $0x8000004B  }
0xb3: {  	_ =	swait.ge [sflag:s29], $0x1  }
0xb4: {  	[sflag:s29] =	ssyncadd.s32 $0xFFFFFFFF  }
0xb5: {  	_ =	strace $0x9000004B  }
0xb6: {  	_ =	sfence  }
0xb7: {  	s30 =	sld [smem:$0x0];
	_ =	sdelay $0x2  }
0xb8: {  	s31 =	sshll.u32 s1, $0xD;
	s1 =	sshrl.u32 s1, $0x2  }
0xb9: {  	s3 =	sand.u32 $0x4000, s31;
	s1 =	sadd.s32 s1, s30  }
0xba: {  	s0 =	sor.u32 s3, s0;
	s1 =	sshll.u32 s1, $0x11  }
0xbb: {  	s0 =	sor.u32 s1, s0  }
0xbc: {  	s0 =	sadd.s32 $0x8F2B, s0  }
0xbd: {  	[sflag:s0] =	ssyncadd.remote.s32 $0x1  }
0xbe: {  	_ =	sfence.sel $0xFFFF  }
0xbf: {  	[dreg:$0x0] =	wrdreg $0xFFFFFFFF;
	(pc) =	sbr.abs _section_cstart, $3  }
0xc0: {  	[dreg:$0x1] =	wrdreg $0xFFFFFFFF  }
0xc1: {  	_ =	task.clear_ibuf [dreg:s6], $0x2FFFF;
	_ =	strace $0x9FFFFFFF  }
0xc2: {  	(tm) =	ssettm $0x7FFFFFFF  }
0xc3: {  	_ =	shalt  }
tec
execute0_lowered:
.L_overlay_start_1:
0x0: {  	(tag) =	ssettag $0x1  }
0x1: {  	s12 =	rddreg [dreg:$0x0]  }
0x2: {  	s1 =	rddreg [dreg:$0x1]  }
0x3: {  	s0 =	rddreg [dreg:$0x2];
	s2 =	simm.s32 $0x0;
	s3 =	stileid.u32  }
0x4: {  	s6 =	srdreg.scid;
	s15 =	simm.s32 $0x4000;
	s18 =	simm.s32 $0x50  }
0x5: {  	s19 =	simm.s32 $0x8000;
	s20 =	simm.s32 $0x1;
	s23 =	simm.s32 $0x0  }
0x6: {  	[smem:$0x7FF] =	sst s2;
	s4 =	sadd.s32 $0x2C600, s12;
	s5 =	sadd.s32 $0x5400, s12  }
0x7: {  	s7 =	sshll.u32 s3, $0xB;
	s8 =	smul.u32 $0x2800, s3;
	s14 =	sand.u32 $0x1, s6  }
0x8: {  	s10 =	smul.u32 $0x50000, s3;
	s6 =	sadd.s32 $0x63800, s12;
	s21 =	sadd.s32 $0x12C000, s1  }
0x9: {  	s16 =	sshll.u32 s3, $0x6;
	p1 =	seq.s32 s3, $0xF;
	_ =	strace $0x8000004A  }
0xa: {  	s9 =	sadd.s32 s7, s12;
	s30 =	ssub.s32 $0x2, s14;
	p0 =	sne.s32 s14, $0x0  }
0xb: {  	s14 =	simm.s32 $0x2;
	s16 =	sor.u32 $0x1C02, s16;
	s21 =	sshrl.u32 @p1 s21, $0x3  }
.Ltmp0:
0xc: {  	s11 =	sadd.s32 s8, s12;
	s31 =	sshrl.u32 s30, $0x1;
	(pc) =	sbr.rel .LBB2_1-.Ltmp0, $4  }
0xd: {  	s7 =	sadd.s32 $0x53800, s9;
	s10 =	sshrl.u32 s10, $0x2;
	s8 =	sadd.s32 $0x5B800, s9  }
0xe: {  	s13 =	ssub.s32 s30, s31;
	s22 =	sadd.s32 s10, s1;
	s9 =	sadd.s32 $0x8D200, s11  }
0xf: {  	s10 =	sadd.s32 $0xB2A00, s12;
	s11 =	sadd.s32 $0x66000, s11;
	s12 =	sadd.s32 $0x8B800, s12  }
0x10: {  	s13 =	smax.u32 s13, $0x1;
	s17 =	sshrl.u32 s22, $0x3;
	s22 =	sshrl.u32 @!p1 s22, $0x3  }
.LBB2_7:
0x11: {  	s24 =	sshra.s32 s24, $0x2;
	[sflag:s14] =	ssyncadd.s32 $0xFFFFD800  }
0x12: {  	[tilespmem:s19], [sflag:$0x1] =	stream.indirect.gather [hbm4b:s5+s18], $0x80, s24, s18, $0xb8;
	[tilespmem:$0x1E800] =	vst v63  }
0x13: {  	_ =	swait.ge [sflag:s20], $0x2800  }
0x14: {  	[sflag:s20] =	ssyncset.done $0x0  }
0x15: {  	s24 =	sadd.s32 $0x4000, s24;
	[sflag:s20] =	ssyncadd.s32 $0xFFFFD800  }
0x16: {  	[spmem:s1] =	stream.indirect.scatter.add.f32 [tilespmem:s19], [sflag:$0x2], $0x80, s24, s18, $0xb8;
	[tilespmem:$0x1E800] =	vst v63  }
0x17: {  	_ =	swait.ge [sflag:s14], $0x2800  }
0x18: {  	[sflag:s14] =	ssyncset.done $0x0  }
0x19: {  	[sflag:s14] =	ssyncadd.s32 $0xFFFFD800  }
0x1a: {  	s24 =	simm.s32 @p1 $0x2;
	[bflag:$0x0] =	sbarrier.arrive $0xFFFF  }
0x1b: {  	[hbm:s10], [sflag:s16] =	dma.local @p1 [spmem:s21], $0x1900  }
0x1c: {  	_ =	swait.ge @p1 [sflag:s24], $0x1900  }
0x1d: {  	[sflag:s24] =	ssyncset.done @p1 $0x0  }
0x1e: {  	[sflag:s24] =	ssyncadd.s32 @p1 $0xFFFFE700;
	s24 =	simm.s32 @!p1 $0x2  }
0x1f: {  	[hbm:s9], [sflag:s16] =	dma.local @!p1 [spmem:s22], $0x2800  }
0x20: {  	_ =	swait.ge @!p1 [sflag:s24], $0x2800  }
0x21: {  	[sflag:s24] =	ssyncset.done @!p1 $0x0  }
0x22: {  	[sflag:s24] =	ssyncadd.s32 @!p1 $0xFFFFD800  }
.LBB2_8:
0x23: {  	s23 =	sadd.s32 $0x1, s23  }
0x24: {  	p2 =	sne.s32 s23, s13  }
.Ltmp1:
0x25: {  	_ = 	snop;
	(pc) =	sbr.rel @!p2 .LBB2_9-.Ltmp1, $1  }
0x26: {  	_ =	sdelay $0x3  }
.LBB2_1:
0x27: {  	[tilespmem:s2], [sflag:$0x2] =	stream.linear.gather [hbm4b:s7+s2], $0x3E80, $0x38;
	[tilespmem:$0x1E800] =	vst v63  }
0x28: {  	_ =	swait.ge [sflag:s14], $0x3E80  }
0x29: {  	[sflag:s14] =	ssyncset.done $0x0  }
0x2a: {  	[sflag:s14] =	ssyncadd.s32 $0xFFFFC180  }
0x2b: {  	[tilespmem:s15], [sflag:$0x2] =	stream.linear.gather [hbm4b:s8+s2], $0x3E80, $0x38;
	[tilespmem:$0x1E800] =	vst v63  }
0x2c: {  	_ =	swait.ge [sflag:s14], $0x3E80  }
0x2d: {  	[sflag:s14] =	ssyncset.done $0x0  }
0x2e: {  	[sflag:s14] =	ssyncadd.s32 $0xFFFFC180  }
0x2f: {  	[spmem:s17], [sflag:s16] =	dma.local [hbm:s6], $0x2800  }
.Ltmp2:
0x30: {  	_ =	swait.ge [sflag:s14], $0x2800;
	(pc) =	sbr.rel @p0 .LBB2_5-.Ltmp2, $4  }
0x31: {  	[sflag:s14] =	ssyncset.done $0x0  }
0x32: {  	[sflag:s14] =	ssyncadd.s32 $0xFFFFD800  }
0x33: {  	[bflag:$0x0] =	sbarrier.arrive $0xFFFF  }
0x34: {  	s24 =	simm.s32 $0x0  }
0x35: {  	[tilespmem:s19], [sflag:$0x1] =	stream.indirect.gather [hbm4b:s4+s18], $0x80, s24, s18, $0xb8;
	[tilespmem:$0x1E800] =	vst v63  }
0x36: {  	_ =	swait.ge [sflag:s20], $0x2800  }
0x37: {  	[sflag:s20] =	ssyncset.done $0x0  }
0x38: {  	s31 =	simm.s32 $0x4000;
	[sflag:s20] =	ssyncadd.s32 $0xFFFFD800  }
0x39: {  	[spmem:s1] =	stream.indirect.scatter.add.f32 [tilespmem:s19], [sflag:$0x2], $0x80, s31, s18, $0xb8;
	[tilespmem:$0x1E800] =	vst v63  }
0x3a: {  	_ =	swait.ge [sflag:s14], $0x2800  }
0x3b: {  	s24 =	simm.s32 $0x200;
	s25 =	simm.s32 $0x400;
	[sflag:s14] =	ssyncset.done $0x0  }
.LBB2_3:
0x3c: {  	s26 =	sshra.s32 s24, $0x2  }
0x3d: {  	[sflag:s14] =	ssyncadd.s32 $0xFFFFD800;
	s24 =	smov.u32 s25;
	s28 =	sadd.s32 $0x200, s25  }
0x3e: {  	[tilespmem:s19], [sflag:$0x1] =	stream.indirect.gather [hbm4b:s4+s18], $0x80, s26, s18, $0xb8;
	[tilespmem:$0x1E800] =	vst v63  }
0x3f: {  	p2 =	sne.s32 s25, $0xF800;
	_ =	swait.ge [sflag:s20], $0x2800  }
.Ltmp3:
0x40: {  	[sflag:s20] =	ssyncset.done $0x0;
	(pc) =	sbr.rel @p2 .LBB2_3-.Ltmp3, $4  }
0x41: {  	s25 =	sadd.s32 $0x4000, s26;
	[sflag:s20] =	ssyncadd.s32 $0xFFFFD800  }
0x42: {  	[spmem:s1] =	stream.indirect.scatter.add.f32 [tilespmem:s19], [sflag:$0x2], $0x80, s25, s18, $0xb8;
	[tilespmem:$0x1E800] =	vst v63  }
0x43: {  	_ =	swait.ge [sflag:s14], $0x2800  }
0x44: {  	s25 =	smov.u32 s28;
	[sflag:s14] =	ssyncset.done $0x0  }
0x45: {  	s24 =	sshra.s32 s24, $0x2;
	[sflag:s14] =	ssyncadd.s32 $0xFFFFD800  }
0x46: {  	[tilespmem:s19], [sflag:$0x1] =	stream.indirect.gather [hbm4b:s4+s18], $0x80, s24, s18, $0xb8;
	[tilespmem:$0x1E800] =	vst v63  }
0x47: {  	_ =	swait.ge [sflag:s20], $0x2800  }
0x48: {  	[sflag:s20] =	ssyncset.done $0x0  }
0x49: {  	s24 =	sadd.s32 $0x4000, s24;
	[sflag:s20] =	ssyncadd.s32 $0xFFFFD800  }
0x4a: {  	[spmem:s1] =	stream.indirect.scatter.add.f32 [tilespmem:s19], [sflag:$0x2], $0x80, s24, s18, $0xb8;
	[tilespmem:$0x1E800] =	vst v63  }
0x4b: {  	_ =	swait.ge [sflag:s14], $0x2800  }
0x4c: {  	[sflag:s14] =	ssyncset.done $0x0  }
0x4d: {  	[sflag:s14] =	ssyncadd.s32 $0xFFFFD800  }
0x4e: {  	s24 =	simm.s32 @p1 $0x2;
	[bflag:$0x0] =	sbarrier.arrive $0xFFFF  }
0x4f: {  	[hbm:s12], [sflag:s16] =	dma.local @p1 [spmem:s21], $0x1900  }
0x50: {  	_ =	swait.ge @p1 [sflag:s24], $0x1900  }
0x51: {  	[sflag:s24] =	ssyncset.done @p1 $0x0  }
.Ltmp4:
0x52: {  	[sflag:s24] =	ssyncadd.s32 @p1 $0xFFFFE700;
	s24 =	simm.s32 @!p1 $0x2;
	(pc) =	sbr.rel .LBB2_8-.Ltmp4, $4  }
0x53: {  	[hbm:s11], [sflag:s16] =	dma.local @!p1 [spmem:s22], $0x2800  }
0x54: {  	_ =	swait.ge @!p1 [sflag:s24], $0x2800  }
0x55: {  	[sflag:s24] =	ssyncset.done @!p1 $0x0  }
0x56: {  	[sflag:s24] =	ssyncadd.s32 @!p1 $0xFFFFD800  }
.LBB2_5:
0x57: {  	[tilespmem:s19], [sflag:$0x1] =	stream.indirect.gather [hbm4b:s5+s18], $0x80, s24, s18, $0xb8;
	[tilespmem:$0x1E800] =	vst v63  }
0x58: {  	_ =	swait.ge [sflag:s20], $0x2800  }
0x59: {  	[sflag:s20] =	ssyncset.done $0x0  }
0x5a: {  	s31 =	simm.s32 $0x4000;
	[sflag:s20] =	ssyncadd.s32 $0xFFFFD800  }
0x5b: {  	[spmem:s1] =	stream.indirect.scatter.add.f32 [tilespmem:s19], [sflag:$0x2], $0x80, s31, s18, $0xb8;
	[tilespmem:$0x1E800] =	vst v63  }
0x5c: {  	_ =	swait.ge [sflag:s14], $0x2800  }
0x5d: {  	s24 =	simm.s32 $0x200;
	s25 =	simm.s32 $0x400;
	[sflag:s14] =	ssyncset.done $0x0  }
.LBB2_6:
0x5e: {  	s26 =	sshra.s32 s24, $0x2  }
0x5f: {  	[sflag:s14] =	ssyncadd.s32 $0xFFFFD800;
	s24 =	smov.u32 s25;
	s28 =	sadd.s32 $0x200, s25  }
0x60: {  	[tilespmem:s19], [sflag:$0x1] =	stream.indirect.gather [hbm4b:s5+s18], $0x80, s26, s18, $0xb8;
	[tilespmem:$0x1E800] =	vst v63  }
0x61: {  	p2 =	sne.s32 s25, $0xF800;
	_ =	swait.ge [sflag:s20], $0x2800  }
.Ltmp5:
0x62: {  	[sflag:s20] =	ssyncset.done $0x0;
	(pc) =	sbr.rel @p2 .LBB2_6-.Ltmp5, $4  }
0x63: {  	s25 =	sadd.s32 $0x4000, s26;
	[sflag:s20] =	ssyncadd.s32 $0xFFFFD800  }
0x64: {  	[spmem:s1] =	stream.indirect.scatter.add.f32 [tilespmem:s19], [sflag:$0x2], $0x80, s25, s18, $0xb8;
	[tilespmem:$0x1E800] =	vst v63  }
0x65: {  	_ =	swait.ge [sflag:s14], $0x2800  }
0x66: {  	s25 =	smov.u32 s28;
	[sflag:s14] =	ssyncset.done $0x0  }
.Ltmp6:
0x67: {  	_ = 	snop;
	(pc) =	sbr.rel .LBB2_7-.Ltmp6, $1  }
0x68: {  	_ =	sdelay $0x3  }
.LBB2_9:
0x69: {  	_ =	sfence.sel $0x180000  }
0x6a: {  	[bflag:$0x0] =	sbarrier.arrive $0xFFFF  }
0x6b: {  	p0 =	sne.s32 s3, $0x0;
	_ =	strace $0x9000004A  }
0x6c: {  	s0 =	sadd.s32 @!p0 $0x100000, s0;
	[bflag:$0x2] =	sbarrier.arrive $0xFFFF  }
0x6d: {  	[sflag:s0] =	ssyncadd.tile.s32 @!p0 $0x1;
	_ =	shalt  }
.Lfunc_end2:
_tile_overlayer_lowered:
.L_overlay_start_2:
0x6e: {  	(tag) =	ssettag $0x2  }
0x6f: {  	s0 =	rddreg [dreg:$0x0];
	s2 =	stileid.u32  }
0x70: {  	s1 =	rddreg [dreg:$0x1];
	p0 =	sne.s32 s2, $0x0  }
0x71: {  	s3 =	rddreg [dreg:$0x2];
	[bflag:$0x3] =	sbarrier.arrive $0xFFFF;
	s2 =	simm.s32 @!p0 $0x1C02  }
0x72: {  	[timem:s3], [sflag:s2] =	dma.local @!p0 [hbm:s0], s1  }
0x73: {  	s0 =	simm.s32 @!p0 $0x2  }
0x74: {  	_ =	swait.ge @!p0 [sflag:s0], s1  }
0x75: {  	s1 =	ssub.s32 @!p0 $0x0, s1;
	[sflag:s0] =	ssyncset.done @!p0 $0x0  }
0x76: {  	[sflag:s0] =	ssyncadd.s32 @!p0 s1  }
0x77: {  	[bflag:$0x3] =	sbarrier.arrive $0xFFFF  }
0x78: {  	_ =	shalt  }

// kernel: kernel.22.cloned.1.call-start
scs
__scs_entry_jumppad:
0x0: {  	(pc) =	sbr.rel $0x88, $3  }
0x1: {  	(tag) =	ssettag $0x0;
	lr =	simm.s32 $0x1  }
0x2: {  	[smem:$0x3F7A] =	sst lr;
	_ =	strace $0xD0000000  }
0x3: {  	_ = 	snop  }
0x4: {  	_ = 	snop  }
0x5: {  	_ = 	snop  }
0x6: {  	_ = 	snop  }
0x7: {  	_ = 	snop  }
__scs_overlays_trampoline_lowered:
0x8: {  	[smem:$0x3F89] =	sst s0  }
0x9: {  	[smem:$0x3F8A] =	sst s1  }
0xa: {  	[smem:$0x3F8B] =	sst s2  }
0xb: {  	[smem:$0x3F8C] =	sst s3  }
0xc: {  	[smem:$0x3F8D] =	sst s4  }
0xd: {  	[smem:$0x3F8E] =	sst s5  }
0xe: {  	[smem:$0x3F8F] =	sst s6  }
0xf: {  	[smem:$0x3F90] =	sst s7  }
0x10: {  	[smem:$0x3F91] =	sst s8  }
0x11: {  	[smem:$0x3F92] =	sst s9;
	s0 =	simm.s32 @!p0 $0x0  }
0x12: {  	s1 =	sld [smem:$0x3F78];
	s0 =	simm.s32 @p0 $0x1  }
0x13: {  	[smem:$0x3F93] =	sst s0;
	s0 =	simm.s32 @!p1 $0x0  }
0x14: {  	s2 =	sld [smem:$0x3F77];
	s0 =	simm.s32 @p1 $0x1  }
0x15: {  	[smem:$0x3F94] =	sst s0;
	s0 =	simm.s32 @!p2 $0x0  }
0x16: {  	s3 =	sld [smem:$0x3FDB];
	s0 =	simm.s32 @p2 $0x1  }
0x17: {  	s4 =	simm.s32 $0x1BF5;
	[smem:$0x3F96] =	sst s0  }
0x18: {  	s0 =	sld [smem:$0x3F79];
	_ =	swait.ge [sflag:s4], $0x0  }
0x19: {  	s7 =	sld [smem:$0x3F7A]  }
0x1a: {  	s8 =	sadd.s32 $0xFFFFE003, lr  }
0x1b: {  	s9 =	sadd.s32 $0xFFFFFEF7, lr;
	s5 =	simm.s32 $0xFFFFFFFF;
	p2 =	slt.u32 s8, $0xFFFFF086  }
0x1c: {  	p1 =	slt.u32 s9, $0xF7A;
	s5 =	simm.s32 @!p2 $0x0  }
0x1d: {  	s5 =	simm.s32 @p1 $0x1;
	p0 =	seq.s32 s7, s2  }
0x1e: {  	s7 =	smul.u32 @!p0 $0xF7A, s2;
	p2 =	seq.s32 @!p0 s5, $0x0  }
0x1f: {  	s9 =	smul.u32 $0xF7A, s1;
	s8 =	simm.s32 @!p0 $0x1BF5;
	p2 =	por !p2, p0  }
0x20: {  	[sflag:s8] =	ssyncset.s32 @!p0 $0xFFFFF086;
	s6 =	sadd.s32 @!p0 s3, s7;
	s7 =	simm.s32 @!p0 $0x108  }
0x21: {  	s3 =	sadd.s32 s3, s9;
	s6 =	sadd.s32 @!p0 $0x88, s6;
	s7 =	simm.s32 @p2 $0x1082  }
0x22: {  	[simem:s7], [sflag:s8] =	dma.local @!p0 [hbm:s6], $0xF7A  }
0x23: {  	s9 =	sor.u32 $0xD0000000, s2;
	s6 =	simm.s32 $0x108;
	_ =	swait.ge @!p0 [sflag:s8], $0x0  }
0x24: {  	s3 =	sadd.s32 $0x88, s3;
	s6 =	simm.s32 @!p1 $0x1082;
	[sflag:s4] =	ssyncset.s32 $0xFFFFF086  }
0x25: {  	[simem:s6], [sflag:s4] =	dma.local [hbm:s3], $0xF7A  }
0x26: {  	[smem:$0x3F7A] =	sst s1;
	(tag) =	ssettag s2;
	_ =	strace s9  }
0x27: {  	s1 =	sld [smem:$0x3F8A]  }
0x28: {  	s2 =	sld [smem:$0x3F8B]  }
0x29: {  	s4 =	sld [smem:$0x3F8D]  }
0x2a: {  	p0 =	seq.s32 s5, $0x0;
	s5 =	sld [smem:$0x3F8E]  }
0x2b: {  	s6 =	sld [smem:$0x3F8F]  }
0x2c: {  	s7 =	sld [smem:$0x3F90]  }
0x2d: {  	s3 =	simm.s32 $0x108;
	s8 =	sld [smem:$0x3F91]  }
0x2e: {  	s3 =	simm.s32 @!p0 $0x1082;
	s9 =	sld [smem:$0x3F92]  }
0x2f: {  	lr =	sadd.s32 s0, s3;
	s0 =	sld [smem:$0x3F89]  }
0x30: {  	s3 =	sld [smem:$0x3F8C]  }
0x31: {  	[smem:$0x3F95] =	sst s10  }
0x32: {  	s10 =	sld [smem:$0x3F93];
	_ =	sdelay $0x3  }
0x33: {  	p0 =	seq.s32 s10, $0x1;
	s10 =	sld [smem:$0x3F95];
	_ =	sdelay $0x3  }
0x34: {  	[smem:$0x3F95] =	sst s10  }
0x35: {  	s10 =	sld [smem:$0x3F94];
	_ =	sdelay $0x3  }
0x36: {  	p1 =	seq.s32 s10, $0x1;
	s10 =	sld [smem:$0x3F95];
	_ =	sdelay $0x3  }
0x37: {  	[smem:$0x3F95] =	sst s10  }
0x38: {  	s10 =	sld [smem:$0x3F96]  }
0x39: {  	_ = 	snop;
	(pc) =	sbr.ind lr, $3  }
0x3a: {  	_ = 	snop  }
0x3b: {  	_ = 	snop  }
0x3c: {  	p2 =	seq.s32 s10, $0x1;
	s10 =	sld [smem:$0x3F95]  }
0x3d: {  	_ =	shalt  }
0x3e: {  	_ =	shalt  }
0x3f: {  	_ =	shalt  }
0x40: {  	_ =	shalt  }
0x41: {  	_ =	shalt  }
0x42: {  	_ =	shalt  }
0x43: {  	_ =	shalt  }
0x44: {  	_ =	shalt  }
0x45: {  	_ =	shalt  }
0x46: {  	_ =	shalt  }
0x47: {  	_ =	shalt  }
0x48: {  	_ =	shalt  }
0x49: {  	_ =	shalt  }
0x4a: {  	_ =	shalt  }
0x4b: {  	_ =	shalt  }
0x4c: {  	_ =	shalt  }
0x4d: {  	_ =	shalt  }
0x4e: {  	_ =	shalt  }
0x4f: {  	_ =	shalt  }
0x50: {  	_ =	shalt  }
0x51: {  	_ =	shalt  }
0x52: {  	_ =	shalt  }
0x53: {  	_ =	shalt  }
0x54: {  	_ =	shalt  }
0x55: {  	_ =	shalt  }
0x56: {  	_ =	shalt  }
0x57: {  	_ =	shalt  }
0x58: {  	_ =	shalt  }
0x59: {  	_ =	shalt  }
0x5a: {  	_ =	shalt  }
0x5b: {  	_ =	shalt  }
0x5c: {  	_ =	shalt  }
0x5d: {  	_ =	shalt  }
0x5e: {  	_ =	shalt  }
0x5f: {  	_ =	shalt  }
0x60: {  	_ =	shalt  }
0x61: {  	_ =	shalt  }
0x62: {  	_ =	shalt  }
0x63: {  	_ =	shalt  }
0x64: {  	_ =	shalt  }
0x65: {  	_ =	shalt  }
0x66: {  	_ =	shalt  }
0x67: {  	_ =	shalt  }
0x68: {  	_ =	shalt  }
0x69: {  	_ =	shalt  }
0x6a: {  	_ =	shalt  }
0x6b: {  	_ =	shalt  }
0x6c: {  	_ =	shalt  }
0x6d: {  	_ =	shalt  }
0x6e: {  	_ =	shalt  }
0x6f: {  	_ =	shalt  }
0x70: {  	_ =	shalt  }
0x71: {  	_ =	shalt  }
0x72: {  	_ =	shalt  }
0x73: {  	_ =	shalt  }
0x74: {  	_ =	shalt  }
0x75: {  	_ =	shalt  }
0x76: {  	_ =	shalt  }
0x77: {  	_ =	shalt  }
0x78: {  	_ =	shalt  }
0x79: {  	_ =	shalt  }
0x7a: {  	_ =	shalt  }
0x7b: {  	_ =	shalt  }
0x7c: {  	_ =	shalt  }
0x7d: {  	_ =	shalt  }
0x7e: {  	_ =	shalt  }
0x7f: {  	_ =	shalt  }
0x80: {  	_ =	shalt  }
0x81: {  	_ =	shalt  }
0x82: {  	_ =	shalt  }
0x83: {  	_ =	shalt  }
0x84: {  	_ =	shalt  }
0x85: {  	_ =	shalt  }
0x86: {  	_ =	shalt  }
0x87: {  	_ =	shalt  }
.Lfunc_end0:
.L_simem_size_0:
called_computation.2_lowered:
.L_overlay_start_0:
0x88: {  	s2 =	sld [smem:$0x3FD9]  }
0x89: {  	s3 =	sld [smem:$0x3FFE];
	_ =	sdelay $0x1  }
0x8a: {  	s1 =	srdreg.scid  }
0x8b: {  	s0 =	sand.u32 $0x1, s1  }
0x8c: {  	s16 =	sshll.u32 s0, $0xA;
	s2 =	sadd.s32 s3, s2  }
0x8d: {  	s2 =	sadd.s32 s2, s16  }
0x8e: {  	[smem:$0x3FA1] =	sst s2  }
0x8f: {  	_ = 	snop  }
0x90: {  	(tm) =	ssettm $0x1  }
0x91: {  	s17 =	sld [smem:$0x3FFB];
	_ =	sdelay $0x3  }
0x92: {  	_ =	strace s17  }
0x93: {  	s2 =	sld [smem:$0x3FFC];
	_ =	sdelay $0x3  }
0x94: {  	_ =	strace s2  }
0x95: {  	s2 =	sld [smem:$0x3FFD];
	_ =	sdelay $0x3  }
0x96: {  	_ =	strace s2  }
0x97: {  	_ =	strace $0x8FFFFFFF  }
0x98: {  	s18 =	sld [smem:$0x3FDB];
	_ =	sdelay $0x1  }
0x99: {  	s19 =	simm.s32 $_scs_section_size  }
0x9a: {  	s4 =	simm.s32 $_size__tile_overlayer_lowered;
	s5 =	simm.s32 $_tile_overlayer_lowered  }
0x9b: {  	s22 =	simm.s32 $0x1BFF;
	s21 =	sshll.u32 s5, $0x1;
	s2 =	sadd.s32 s19, s18  }
0x9c: {  	s6 =	simm.s32 $0x0;
	s20 =	sshll.u32 s4, $0x1;
	s4 =	sadd.s32 s21, s2  }
0x9d: {  	[timem:s6], [sflag:s22] =	dma.local [hbm:s4], s20  }
0x9e: {  	_ =	swait.ge [sflag:s22], s20  }
0x9f: {  	s3 =	ssub.s32 $0x0, s20;
	[sflag:s22] =	ssyncset.done $0x0  }
0xa0: {  	[sflag:s22] =	ssyncadd.s32 s3;
	_ =	sdelay $0x1  }
0xa1: {  	s23 =	simm.s32 $0x1B8B  }
0xa2: {  	_ =	swait.ge [sflag:s23], $0x1  }
0xa3: {  	[sflag:s23] =	ssyncset.done $0x0  }
0xa4: {  	s25 =	simm.s32 $0x1B8E;
	s24 =	sld [smem:$0x3FFE];
	[sflag:s23] =	ssyncadd.s32 $0xFFFFFFFF  }
0xa5: {  	s26 =	simm.s32 $execute0_lowered;
	[smem:$0x3FD2] =	sst s25  }
0xa6: {  	s4 =	sshll.u32 s26, $0x1;
	_ =	strace $0x8000004C;
	[dreg:$0x1] =	wrdreg $0xFFFFFFFF  }
0xa7: {  	s28 =	simm.s32 $_size_execute0_lowered;
	s2 =	sadd.s32 s2, s4;
	[dreg:$0x0] =	wrdreg $0x0  }
0xa8: {  	s4 =	sshll.u32 s28, $0x1;
	[dreg:$0x2] =	wrdreg s2  }
0xa9: {  	[dreg:$0x3] =	wrdreg s4  }
0xaa: {  	[dreg:$0x4] =	wrdreg $0xC0  }
0xab: {  	_ =	task [dreg:s6], $0x5FFFF  }
0xac: {  	[dreg:$0x1] =	wrdreg $0xFFFFFFFF  }
0xad: {  	[dreg:$0x0] =	wrdreg $0x60  }
0xae: {  	[dreg:$0x2] =	wrdreg s24  }
0xaf: {  	[dreg:$0x3] =	wrdreg $0xA8000  }
0xb0: {  	[dreg:$0x4] =	wrdreg $0x9  }
0xb1: {  	_ =	task.clear_ibuf [dreg:s6], $0x5FFFF;
	_ =	strace $0x9000004C  }
0xb2: {  	s29 =	simm.s32 $0x9;
	_ =	strace $0x8000004E  }
0xb3: {  	_ =	swait.ge [sflag:s29], $0x1  }
0xb4: {  	[sflag:s29] =	ssyncadd.s32 $0xFFFFFFFF  }
0xb5: {  	_ =	strace $0x9000004E  }
0xb6: {  	_ =	sfence  }
0xb7: {  	s30 =	sld [smem:$0x0];
	_ =	sdelay $0x2  }
0xb8: {  	s31 =	sshll.u32 s1, $0xD;
	s1 =	sshrl.u32 s1, $0x2  }
0xb9: {  	s3 =	sand.u32 $0x4000, s31;
	s1 =	sadd.s32 s1, s30  }
0xba: {  	s0 =	sor.u32 s3, s0;
	s1 =	sshll.u32 s1, $0x11  }
0xbb: {  	s0 =	sor.u32 s1, s0  }
0xbc: {  	s0 =	sadd.s32 $0x8F2B, s0  }
0xbd: {  	[sflag:s0] =	ssyncadd.remote.s32 $0x1  }
0xbe: {  	_ =	sfence.sel $0xFFFF  }
0xbf: {  	[dreg:$0x0] =	wrdreg $0xFFFFFFFF;
	(pc) =	sbr.abs _section_cstart, $3  }
0xc0: {  	[dreg:$0x1] =	wrdreg $0xFFFFFFFF  }
0xc1: {  	_ =	task.clear_ibuf [dreg:s6], $0x2FFFF;
	_ =	strace $0x9FFFFFFF  }
0xc2: {  	(tm) =	ssettm $0x7FFFFFFF  }
0xc3: {  	_ =	shalt  }
tec
execute0_lowered:
.L_overlay_start_1:
0x0: {  	(tag) =	ssettag $0x1  }
0x1: {  	s12 =	rddreg [dreg:$0x0]  }
0x2: {  	s1 =	rddreg [dreg:$0x1]  }
0x3: {  	s0 =	rddreg [dreg:$0x2];
	s2 =	simm.s32 $0x0;
	s3 =	stileid.u32  }
0x4: {  	s6 =	srdreg.scid;
	s15 =	simm.s32 $0x4000;
	s18 =	simm.s32 $0x50  }
0x5: {  	s19 =	simm.s32 $0x8000;
	s20 =	simm.s32 $0x1;
	s23 =	simm.s32 $0x0  }
0x6: {  	[smem:$0x7FF] =	sst s2;
	s4 =	sadd.s32 $0x2C600, s12;
	s5 =	sadd.s32 $0x5400, s12  }
0x7: {  	s7 =	sshll.u32 s3, $0xB;
	s8 =	smul.u32 $0x2800, s3;
	s14 =	sand.u32 $0x1, s6  }
0x8: {  	s10 =	smul.u32 $0x50000, s3;
	s6 =	sadd.s32 $0x63800, s12;
	s21 =	sadd.s32 $0x12C000, s1  }
0x9: {  	s16 =	sshll.u32 s3, $0x6;
	p1 =	seq.s32 s3, $0xF;
	_ =	strace $0x8000004D  }
0xa: {  	s9 =	sadd.s32 s7, s12;
	s30 =	ssub.s32 $0x2, s14;
	p0 =	sne.s32 s14, $0x0  }
0xb: {  	s14 =	simm.s32 $0x2;
	s16 =	sor.u32 $0x1C02, s16;
	s21 =	sshrl.u32 @p1 s21, $0x3  }
.Ltmp0:
0xc: {  	s11 =	sadd.s32 s8, s12;
	s31 =	sshrl.u32 s30, $0x1;
	(pc) =	sbr.rel .LBB2_1-.Ltmp0, $4  }
0xd: {  	s7 =	sadd.s32 $0x53800, s9;
	s10 =	sshrl.u32 s10, $0x2;
	s8 =	sadd.s32 $0x5B800, s9  }
0xe: {  	s13 =	ssub.s32 s30, s31;
	s22 =	sadd.s32 s10, s1;
	s9 =	sadd.s32 $0x8D200, s11  }
0xf: {  	s10 =	sadd.s32 $0xB2A00, s12;
	s11 =	sadd.s32 $0x66000, s11;
	s12 =	sadd.s32 $0x8B800, s12  }
0x10: {  	s13 =	smax.u32 s13, $0x1;
	s17 =	sshrl.u32 s22, $0x3;
	s22 =	sshrl.u32 @!p1 s22, $0x3  }
.LBB2_7:
0x11: {  	s24 =	sshra.s32 s24, $0x2;
	[sflag:s14] =	ssyncadd.s32 $0xFFFFD800  }
0x12: {  	[tilespmem:s19], [sflag:$0x1] =	stream.indirect.gather [hbm4b:s5+s18], $0x80, s24, s18, $0xb8;
	[tilespmem:$0x1E800] =	vst v63  }
0x13: {  	_ =	swait.ge [sflag:s20], $0x2800  }
0x14: {  	[sflag:s20] =	ssyncset.done $0x0  }
0x15: {  	s24 =	sadd.s32 $0x4000, s24;
	[sflag:s20] =	ssyncadd.s32 $0xFFFFD800  }
0x16: {  	[spmem:s1] =	stream.indirect.scatter.add.f32 [tilespmem:s19], [sflag:$0x2], $0x80, s24, s18, $0xb8;
	[tilespmem:$0x1E800] =	vst v63  }
0x17: {  	_ =	swait.ge [sflag:s14], $0x2800  }
0x18: {  	[sflag:s14] =	ssyncset.done $0x0  }
0x19: {  	[sflag:s14] =	ssyncadd.s32 $0xFFFFD800  }
0x1a: {  	s24 =	simm.s32 @p1 $0x2;
	[bflag:$0x0] =	sbarrier.arrive $0xFFFF  }
0x1b: {  	[hbm:s10], [sflag:s16] =	dma.local @p1 [spmem:s21], $0x1900  }
0x1c: {  	_ =	swait.ge @p1 [sflag:s24], $0x1900  }
0x1d: {  	[sflag:s24] =	ssyncset.done @p1 $0x0  }
0x1e: {  	[sflag:s24] =	ssyncadd.s32 @p1 $0xFFFFE700;
	s24 =	simm.s32 @!p1 $0x2  }
0x1f: {  	[hbm:s9], [sflag:s16] =	dma.local @!p1 [spmem:s22], $0x2800  }
0x20: {  	_ =	swait.ge @!p1 [sflag:s24], $0x2800  }
0x21: {  	[sflag:s24] =	ssyncset.done @!p1 $0x0  }
0x22: {  	[sflag:s24] =	ssyncadd.s32 @!p1 $0xFFFFD800  }
.LBB2_8:
0x23: {  	s23 =	sadd.s32 $0x1, s23  }
0x24: {  	p2 =	sne.s32 s23, s13  }
.Ltmp1:
0x25: {  	_ = 	snop;
	(pc) =	sbr.rel @!p2 .LBB2_9-.Ltmp1, $1  }
0x26: {  	_ =	sdelay $0x3  }
.LBB2_1:
0x27: {  	[tilespmem:s2], [sflag:$0x2] =	stream.linear.gather [hbm4b:s7+s2], $0x3E80, $0x38;
	[tilespmem:$0x1E800] =	vst v63  }
0x28: {  	_ =	swait.ge [sflag:s14], $0x3E80  }
0x29: {  	[sflag:s14] =	ssyncset.done $0x0  }
0x2a: {  	[sflag:s14] =	ssyncadd.s32 $0xFFFFC180  }
0x2b: {  	[tilespmem:s15], [sflag:$0x2] =	stream.linear.gather [hbm4b:s8+s2], $0x3E80, $0x38;
	[tilespmem:$0x1E800] =	vst v63  }
0x2c: {  	_ =	swait.ge [sflag:s14], $0x3E80  }
0x2d: {  	[sflag:s14] =	ssyncset.done $0x0  }
0x2e: {  	[sflag:s14] =	ssyncadd.s32 $0xFFFFC180  }
0x2f: {  	[spmem:s17], [sflag:s16] =	dma.local [hbm:s6], $0x2800  }
.Ltmp2:
0x30: {  	_ =	swait.ge [sflag:s14], $0x2800;
	(pc) =	sbr.rel @p0 .LBB2_5-.Ltmp2, $4  }
0x31: {  	[sflag:s14] =	ssyncset.done $0x0  }
0x32: {  	[sflag:s14] =	ssyncadd.s32 $0xFFFFD800  }
0x33: {  	[bflag:$0x0] =	sbarrier.arrive $0xFFFF  }
0x34: {  	s24 =	simm.s32 $0x0  }
0x35: {  	[tilespmem:s19], [sflag:$0x1] =	stream.indirect.gather [hbm4b:s4+s18], $0x80, s24, s18, $0xb8;
	[tilespmem:$0x1E800] =	vst v63  }
0x36: {  	_ =	swait.ge [sflag:s20], $0x2800  }
0x37: {  	[sflag:s20] =	ssyncset.done $0x0  }
0x38: {  	s31 =	simm.s32 $0x4000;
	[sflag:s20] =	ssyncadd.s32 $0xFFFFD800  }
0x39: {  	[spmem:s1] =	stream.indirect.scatter.add.f32 [tilespmem:s19], [sflag:$0x2], $0x80, s31, s18, $0xb8;
	[tilespmem:$0x1E800] =	vst v63  }
0x3a: {  	_ =	swait.ge [sflag:s14], $0x2800  }
0x3b: {  	s24 =	simm.s32 $0x200;
	s25 =	simm.s32 $0x400;
	[sflag:s14] =	ssyncset.done $0x0  }
.LBB2_3:
0x3c: {  	s26 =	sshra.s32 s24, $0x2  }
0x3d: {  	[sflag:s14] =	ssyncadd.s32 $0xFFFFD800;
	s24 =	smov.u32 s25;
	s28 =	sadd.s32 $0x200, s25  }
0x3e: {  	[tilespmem:s19], [sflag:$0x1] =	stream.indirect.gather [hbm4b:s4+s18], $0x80, s26, s18, $0xb8;
	[tilespmem:$0x1E800] =	vst v63  }
0x3f: {  	p2 =	sne.s32 s25, $0xF800;
	_ =	swait.ge [sflag:s20], $0x2800  }
.Ltmp3:
0x40: {  	[sflag:s20] =	ssyncset.done $0x0;
	(pc) =	sbr.rel @p2 .LBB2_3-.Ltmp3, $4  }
0x41: {  	s25 =	sadd.s32 $0x4000, s26;
	[sflag:s20] =	ssyncadd.s32 $0xFFFFD800  }
0x42: {  	[spmem:s1] =	stream.indirect.scatter.add.f32 [tilespmem:s19], [sflag:$0x2], $0x80, s25, s18, $0xb8;
	[tilespmem:$0x1E800] =	vst v63  }
0x43: {  	_ =	swait.ge [sflag:s14], $0x2800  }
0x44: {  	s25 =	smov.u32 s28;
	[sflag:s14] =	ssyncset.done $0x0  }
0x45: {  	s24 =	sshra.s32 s24, $0x2;
	[sflag:s14] =	ssyncadd.s32 $0xFFFFD800  }
0x46: {  	[tilespmem:s19], [sflag:$0x1] =	stream.indirect.gather [hbm4b:s4+s18], $0x80, s24, s18, $0xb8;
	[tilespmem:$0x1E800] =	vst v63  }
0x47: {  	_ =	swait.ge [sflag:s20], $0x2800  }
0x48: {  	[sflag:s20] =	ssyncset.done $0x0  }
0x49: {  	s24 =	sadd.s32 $0x4000, s24;
	[sflag:s20] =	ssyncadd.s32 $0xFFFFD800  }
0x4a: {  	[spmem:s1] =	stream.indirect.scatter.add.f32 [tilespmem:s19], [sflag:$0x2], $0x80, s24, s18, $0xb8;
	[tilespmem:$0x1E800] =	vst v63  }
0x4b: {  	_ =	swait.ge [sflag:s14], $0x2800  }
0x4c: {  	[sflag:s14] =	ssyncset.done $0x0  }
0x4d: {  	[sflag:s14] =	ssyncadd.s32 $0xFFFFD800  }
0x4e: {  	s24 =	simm.s32 @p1 $0x2;
	[bflag:$0x0] =	sbarrier.arrive $0xFFFF  }
0x4f: {  	[hbm:s12], [sflag:s16] =	dma.local @p1 [spmem:s21], $0x1900  }
0x50: {  	_ =	swait.ge @p1 [sflag:s24], $0x1900  }
0x51: {  	[sflag:s24] =	ssyncset.done @p1 $0x0  }
.Ltmp4:
0x52: {  	[sflag:s24] =	ssyncadd.s32 @p1 $0xFFFFE700;
	s24 =	simm.s32 @!p1 $0x2;
	(pc) =	sbr.rel .LBB2_8-.Ltmp4, $4  }
0x53: {  	[hbm:s11], [sflag:s16] =	dma.local @!p1 [spmem:s22], $0x2800  }
0x54: {  	_ =	swait.ge @!p1 [sflag:s24], $0x2800  }
0x55: {  	[sflag:s24] =	ssyncset.done @!p1 $0x0  }
0x56: {  	[sflag:s24] =	ssyncadd.s32 @!p1 $0xFFFFD800  }
.LBB2_5:
0x57: {  	[tilespmem:s19], [sflag:$0x1] =	stream.indirect.gather [hbm4b:s5+s18], $0x80, s24, s18, $0xb8;
	[tilespmem:$0x1E800] =	vst v63  }
0x58: {  	_ =	swait.ge [sflag:s20], $0x2800  }
0x59: {  	[sflag:s20] =	ssyncset.done $0x0  }
0x5a: {  	s31 =	simm.s32 $0x4000;
	[sflag:s20] =	ssyncadd.s32 $0xFFFFD800  }
0x5b: {  	[spmem:s1] =	stream.indirect.scatter.add.f32 [tilespmem:s19], [sflag:$0x2], $0x80, s31, s18, $0xb8;
	[tilespmem:$0x1E800] =	vst v63  }
0x5c: {  	_ =	swait.ge [sflag:s14], $0x2800  }
0x5d: {  	s24 =	simm.s32 $0x200;
	s25 =	simm.s32 $0x400;
	[sflag:s14] =	ssyncset.done $0x0  }
.LBB2_6:
0x5e: {  	s26 =	sshra.s32 s24, $0x2  }
0x5f: {  	[sflag:s14] =	ssyncadd.s32 $0xFFFFD800;
	s24 =	smov.u32 s25;
	s28 =	sadd.s32 $0x200, s25  }
0x60: {  	[tilespmem:s19], [sflag:$0x1] =	stream.indirect.gather [hbm4b:s5+s18], $0x80, s26, s18, $0xb8;
	[tilespmem:$0x1E800] =	vst v63  }
0x61: {  	p2 =	sne.s32 s25, $0xF800;
	_ =	swait.ge [sflag:s20], $0x2800  }
.Ltmp5:
0x62: {  	[sflag:s20] =	ssyncset.done $0x0;
	(pc) =	sbr.rel @p2 .LBB2_6-.Ltmp5, $4  }
0x63: {  	s25 =	sadd.s32 $0x4000, s26;
	[sflag:s20] =	ssyncadd.s32 $0xFFFFD800  }
0x64: {  	[spmem:s1] =	stream.indirect.scatter.add.f32 [tilespmem:s19], [sflag:$0x2], $0x80, s25, s18, $0xb8;
	[tilespmem:$0x1E800] =	vst v63  }
0x65: {  	_ =	swait.ge [sflag:s14], $0x2800  }
0x66: {  	s25 =	smov.u32 s28;
	[sflag:s14] =	ssyncset.done $0x0  }
.Ltmp6:
0x67: {  	_ = 	snop;
	(pc) =	sbr.rel .LBB2_7-.Ltmp6, $1  }
0x68: {  	_ =	sdelay $0x3  }
.LBB2_9:
0x69: {  	_ =	sfence.sel $0x180000  }
0x6a: {  	[bflag:$0x0] =	sbarrier.arrive $0xFFFF  }
0x6b: {  	p0 =	sne.s32 s3, $0x0;
	_ =	strace $0x9000004D  }
0x6c: {  	s0 =	sadd.s32 @!p0 $0x100000, s0;
	[bflag:$0x2] =	sbarrier.arrive $0xFFFF  }
0x6d: {  	[sflag:s0] =	ssyncadd.tile.s32 @!p0 $0x1;
	_ =	shalt  }
.Lfunc_end2:
_tile_overlayer_lowered:
.L_overlay_start_2:
0x6e: {  	(tag) =	ssettag $0x2  }
0x6f: {  	s0 =	rddreg [dreg:$0x0];
	s2 =	stileid.u32  }
0x70: {  	s1 =	rddreg [dreg:$0x1];
	p0 =	sne.s32 s2, $0x0  }
0x71: {  	s3 =	rddreg [dreg:$0x2];
	[bflag:$0x3] =	sbarrier.arrive $0xFFFF;
	s2 =	simm.s32 @!p0 $0x1C02  }
0x72: {  	[timem:s3], [sflag:s2] =	dma.local @!p0 [hbm:s0], s1  }
0x73: {  	s0 =	simm.s32 @!p0 $0x2  }
0x74: {  	_ =	swait.ge @!p0 [sflag:s0], s1  }
0x75: {  	s1 =	ssub.s32 @!p0 $0x0, s1;
	[sflag:s0] =	ssyncset.done @!p0 $0x0  }
0x76: {  	[sflag:s0] =	ssyncadd.s32 @!p0 s1  }
0x77: {  	[bflag:$0x3] =	sbarrier.arrive $0xFFFF  }
0x78: {  	_ =	shalt  }

</sc_bundles>
